<compile_context>
chip_gen: v7x
topology: tpu7x:2x2x1
jax: 0.10.2.dev20260603
libtpu: 0.0.44.dev20260713+nightly
codegen_flags: <defaults>
</compile_context>

<pallas_src>
import functools
import jax
import jax.numpy as jnp
from jax import lax
from jax.experimental import pallas as pl
from jax.experimental.pallas import tpu as pltpu
from jax.experimental.pallas import tpu_sc as plsc

_K = 19
_B = 8
_NPIX = 512 * 512
_NC = 2
_NS = 16
_NW = _NC * _NS
_P = 2048
_QP = _NPIX // 4
_ROUNDS = _QP // _P
_ACC = 16 * 1024


def _sc_body(l_hbm, t_hbm, out_hbm, bufA, tbA, bufB, tbB, acc,
             semA, semB):
    cidx = lax.axis_index("c")
    sidx = lax.axis_index("s")
    w = cidx * _NS + sidx
    b = w // 4
    q = w % 4
    rbase = b * _K
    tbase = b * _NPIX
    qbase = q * _QP

    zeros16 = jnp.zeros((16,), jnp.float32)

    def zloop(i, carry):
        acc[pl.ds(i * 16, 16)] = zeros16
        return carry

    lax.fori_loop(0, _ACC // 16, zloop, 0)

    def fire(r, buf, tb, sem):
        p0 = qbase + r * _P
        pltpu.async_copy(l_hbm.at[pl.ds(rbase, _K), pl.ds(p0, _P)], buf, sem)
        pltpu.async_copy(t_hbm.at[pl.ds(tbase + p0, _P)], tb, sem)

    def drain(r, buf, tb, sem):
        p0 = qbase + r * _P
        pltpu.make_async_copy(
            l_hbm.at[pl.ds(rbase, _K), pl.ds(p0, _P)], buf, sem).wait()
        pltpu.make_async_copy(t_hbm.at[pl.ds(tbase + p0, _P)], tb,
                              sem).wait()

    lanes = lax.iota(jnp.int32, 16) * 1024
    lanes_r = lanes + _K * 32
    ones16 = jnp.ones((16,), jnp.float32)

    def compute(buf, tb):
        def inner(j, carry):
            for u in range(4):
                o = (j * 4 + u) * 16
                best = buf[0, pl.ds(o, 16)]
                pred = jnp.zeros((16,), jnp.int32)
                for c in range(1, _K):
                    v = buf[c, pl.ds(o, 16)]
                    m = v > best
                    best = jnp.where(m, v, best)
                    pred = jnp.where(m, jnp.full((16,), c, jnp.int32), pred)
                t = tb[pl.ds(o, 16)]
                addr = lanes + t * 32 + pred
                plsc.addupdate_scatter(acc, [addr], ones16)
                addr2 = lanes_r + t
                plsc.addupdate_scatter(acc, [addr2], ones16)
            return carry

        lax.fori_loop(0, _P // 64, inner, 0)

    fire(0, bufA, tbA, semA)
    fire(1, bufB, tbB, semB)

    def round2(i, carry):
        g = i * 2
        drain(g, bufA, tbA, semA)
        compute(bufA, tbA)

        @pl.when(g + 2 < _ROUNDS)
        def _():
            fire(g + 2, bufA, tbA, semA)

        drain(g + 1, bufB, tbB, semB)
        compute(bufB, tbB)

        @pl.when(g + 3 < _ROUNDS)
        def _():
            fire(g + 3, bufB, tbB, semB)

        return carry

    lax.fori_loop(0, _ROUNDS // 2, round2, 0)

    pltpu.sync_copy(acc, out_hbm.at[pl.ds(w * _ACC, _ACC)])


def _sc_hist(l2d, tflat):
    mesh = plsc.VectorSubcoreMesh(core_axis_name="c", subcore_axis_name="s")
    k = functools.partial(
        pl.kernel,
        mesh=mesh,
        out_type=jax.ShapeDtypeStruct((_NW * _ACC,), jnp.float32),
        compiler_params=pltpu.CompilerParams(use_tc_tiling_on_sc=False,
                                             needs_layout_passes=False),
        scratch_types=[
            pltpu.VMEM((_K, _P), jnp.float32),
            pltpu.VMEM((_P,), jnp.int32),
            pltpu.VMEM((_K, _P), jnp.float32),
            pltpu.VMEM((_P,), jnp.int32),
            pltpu.VMEM((_ACC,), jnp.float32),
            pltpu.SemaphoreType.DMA,
            pltpu.SemaphoreType.DMA,
        ],
    )(_sc_body)
    return k(l2d, tflat)


def _fin_body(p_ref, inter_ref, union_ref, total_ref, freq_ref):
    x = p_ref[...]
    cm = jnp.sum(x, axis=0)
    cm19 = cm[0:_K]
    r0 = lax.broadcasted_iota(jnp.int32, (_K, 32), 0)
    r1 = lax.broadcasted_iota(jnp.int32, (_K, 32), 1)
    eye = (r0 == r1).astype(jnp.float32)
    inter = jnp.sum(cm19 * eye, axis=0, keepdims=True)
    cols = jnp.sum(cm19, axis=0, keepdims=True)
    rows = cm[_K:_K + 1, :]
    total = jnp.sum(rows)
    inter_ref[...] = inter[:, 0:_K]
    union_ref[...] = (rows + cols - inter)[:, 0:_K]
    total_ref[...] = jnp.reshape(total, (1, 1))
    freq_ref[...] = (rows / total)[:, 0:_K]


def _finalize(parts):
    vec = jax.ShapeDtypeStruct((1, _K), jnp.float32)
    return pl.pallas_call(
        _fin_body,
        out_shape=[vec, vec, jax.ShapeDtypeStruct((1, 1), jnp.float32), vec],
    )(parts)


def kernel(logits, target):
    parts = _sc_hist(logits.reshape(_B * _K, _NPIX), target.reshape(-1))
    inter, union, total, freq = _finalize(parts.reshape(_NW * 16, 32, 32))
    return (inter.reshape(_K), union.reshape(_K),
            total.reshape(()), freq.reshape(_K))

# --- scband reference (transcript-rebuilt; emitter-appended) ---
"""Pipeline reference for scband-natural-image-measure-65609920413896 (READ-ONLY COPY).

The authoritative reference and input builder live on the scoring server;
editing this copy changes nothing except your own understanding.
"""

import jax, jax.numpy as jnp
import numpy as np

NCLASS = 19


def setup_inputs(seed: int = 0) -> dict:
    key = jax.random.key(seed)
    k1, k2 = jax.random.split(key)
    logits = jax.random.normal(k1, (8, NCLASS, 512, 512), dtype=jnp.float32)
    target = jax.random.randint(k2, (8, 512, 512), 0, NCLASS, dtype=jnp.int32)
    return {"logits": logits, "target": target}


def reference(logits, target):
    # make_same_size: logits already match target spatial size -> identity
    # get_prediction: argmax over class channel
    pred = jnp.argmax(logits, axis=1)
    # get_confusion_matrix_gpu: bincount-style scatter-add over pixel pairs
    valid = (target >= 0) & (target < NCLASS)
    t = jnp.where(valid, target, 0)
    idx_t = t.reshape(-1)
    idx_p = pred.reshape(-1)
    vals = valid.reshape(-1).astype(jnp.float32)
    cm = jnp.zeros((NCLASS, NCLASS), dtype=jnp.float32).at[idx_t, idx_p].add(vals)
    # get_something: derive inter / union / total / freq from confusion matrix
    inter = jnp.diagonal(cm)
    union = cm.sum(axis=0) + cm.sum(axis=1) - inter
    total = cm.sum()
    freq = cm.sum(axis=1) / total
    return inter, union, total, freq

if __name__ == "__main__":
    import jax
    _d = setup_inputs()
    print(jax.jit(kernel)(*tuple(_d.values())))

</pallas_src>

<mosaic_0001>
#map = affine_map<(d0, d1) -> (0, 0)>
#map1 = affine_map<(d0, d1) -> (0)>
module attributes {stable_mosaic.version = 14 : i64} {
  func.func @_sc_body(%arg0: i32, %arg1: i32, %arg2: memref<152x262144xf32, #tpu.memory_space<hbm>>, %arg3: memref<2097152xi32, #tpu.memory_space<hbm>>, %arg4: memref<524288xf32, #tpu.memory_space<hbm>>, %arg5: memref<19x2048xf32, #tpu.memory_space<vmem>>, %arg6: memref<2048xi32, #tpu.memory_space<vmem>>, %arg7: memref<19x2048xf32, #tpu.memory_space<vmem>>, %arg8: memref<2048xi32, #tpu.memory_space<vmem>>, %arg9: memref<16384xf32, #tpu.memory_space<vmem>>, %arg10: memref<!tpu.dma_semaphore, #tpu.memory_space<semaphore_mem>>, %arg11: memref<!tpu.dma_semaphore, #tpu.memory_space<semaphore_mem>>) attributes {dimension_semantics = [#tpu.dimension_semantics<core_parallel>, #tpu.dimension_semantics<subcore_parallel>], iteration_bounds = array<i64: 2, 16>, scalar_prefetch = 0 : i64, scratch_operands = 7 : i64, tpu.core_type = #tpu.core_type<sc_vector_subcore>, window_params = [{transform_indices = #map}, {transform_indices = #map1}, {transform_indices = #map1}]} {
    %mul3A = arith.constant 16 : i32
    %mul3A_0 = arith.muli %arg0, %mul3A : i32
    %add3A = arith.addi %mul3A_0, %arg1 : i32
    %jit3A = arith.constant 4 : i32
    %div3A = arith.divsi %add3A, %jit3A : i32
    %sign3A = arith.constant 0 : i32
    %sign3A_1 = arith.cmpi sgt, %add3A, %sign3A : i32
    %sign3A_2 = arith.extui %sign3A_1 : i1 to i32
    %sign3A_3 = arith.constant 0 : i32
    %sign3A_4 = arith.cmpi slt, %add3A, %sign3A_3 : i32
    %sign3A_5 = arith.extui %sign3A_4 : i1 to i32
    %sign3A_6 = arith.subi %sign3A_2, %sign3A_5 : i32
    %sign3A_7 = arith.constant 0 : i32
    %sign3A_8 = arith.cmpi sgt, %jit3A, %sign3A_7 : i32
    %sign3A_9 = arith.extui %sign3A_8 : i1 to i32
    %sign3A_10 = arith.constant 0 : i32
    %sign3A_11 = arith.cmpi slt, %jit3A, %sign3A_10 : i32
    %sign3A_12 = arith.extui %sign3A_11 : i1 to i32
    %sign3A_13 = arith.subi %sign3A_9, %sign3A_12 : i32
    %ne3A = arith.cmpi ne, %sign3A_6, %sign3A_13 : i32
    %rem3A = arith.remsi %add3A, %jit3A : i32
    %ne3A_14 = arith.constant 0 : i32
    %ne3A_15 = arith.cmpi ne, %rem3A, %ne3A_14 : i32
    %and3A = arith.andi %ne3A, %ne3A_15 : i1
    %sub3A = arith.constant 1 : i32
    %sub3A_16 = arith.subi %div3A, %sub3A : i32
    %select_n3A = arith.select %and3A, %sub3A_16, %div3A : i32
    %jit3A_17 = arith.constant 4 : i32
    %eq3A = arith.constant 0 : i32
    %eq3A_18 = arith.cmpi eq, %jit3A_17, %eq3A : i32
    %jit3A_19 = arith.constant 1 : i32
    %select_n3A_20 = arith.select %eq3A_18, %jit3A_19, %jit3A_17 : i32
    %rem3A_21 = arith.remsi %add3A, %select_n3A_20 : i32
    %ne3A_22 = arith.constant 0 : i32
    %ne3A_23 = arith.cmpi ne, %rem3A_21, %ne3A_22 : i32
    %lt3A = arith.constant 0 : i32
    %lt3A_24 = arith.cmpi slt, %rem3A_21, %lt3A : i32
    %lt3A_25 = arith.constant 0 : i32
    %lt3A_26 = arith.cmpi slt, %select_n3A_20, %lt3A_25 : i32
    %ne3A_27 = arith.xori %lt3A_24, %lt3A_26 : i1
    %and3A_28 = arith.andi %ne3A_27, %ne3A_23 : i1
    %add3A_29 = arith.addi %rem3A_21, %select_n3A_20 : i32
    %select_n3A_30 = arith.select %and3A_28, %add3A_29, %rem3A_21 : i32
    %mul3A_31 = arith.constant 19 : i32
    %mul3A_32 = arith.muli %select_n3A, %mul3A_31 : i32
    %mul3A_33 = arith.constant 262144 : i32
    %mul3A_34 = arith.muli %select_n3A, %mul3A_33 : i32
    %mul3A_35 = arith.constant 65536 : i32
    %mul3A_36 = arith.muli %select_n3A_30, %mul3A_35 : i32
    %broadcast_in_dim3A = arith.constant 0.000000e+00 : f32
    %broadcast_in_dim3A_37 = vector.broadcast %broadcast_in_dim3A : f32 to vector<16xf32>
    %scan3A = arith.constant 0 : i32
    %scan3A_38 = arith.constant 0 : i32
    %scan3A_39 = arith.constant 1024 : i32
    %scan3A_40 = arith.addi %scan3A_38, %scan3A_39 : i32
    %scan3A_41 = arith.constant 1 : i32
    scf.for %scan3A_72 = %scan3A_38 to %scan3A_40 step %scan3A_41  : i32 {
      %mul3A_73 = arith.constant 16 : i32
      %mul3A_74 = arith.muli %scan3A_72, %mul3A_73 : i32
      %swap3A = arith.index_cast %mul3A_74 : i32 to index
      %swap3A_75 = tpu.vector_load %arg9[%swap3A] {strides = array<i32>} : memref<16384xf32, #tpu.memory_space<vmem>>, vector<16xf32>,
      tpu.vector_store %arg9[%swap3A], %broadcast_in_dim3A_37 {strides = array<i32>} : memref<16384xf32, #tpu.memory_space<vmem>>, vector<16xf32>,
    }
    %scan3A_42 = arith.constant 1024 : i32
    %iota3A = tpu.iota {dimensions = array<i32: 0>} : vector<16xi32>
    %mul3A_43 = arith.constant 1024 : i32
    %mul3A_44 = vector.broadcast %mul3A_43 : i32 to vector<16xi32>
    %mul3A_45 = arith.muli %iota3A, %mul3A_44 : vector<16xi32>
    %add3A_46 = arith.constant 608 : i32
    %add3A_47 = vector.broadcast %add3A_46 : i32 to vector<16xi32>
    %add3A_48 = arith.addi %mul3A_45, %add3A_47 : vector<16xi32>
    %broadcast_in_dim3A_49 = arith.constant 1.000000e+00 : f32
    %broadcast_in_dim3A_50 = vector.broadcast %broadcast_in_dim3A_49 : f32 to vector<16xf32>
    %add3A_51 = arith.constant 0 : i32
    %add3A_52 = arith.addi %mul3A_36, %add3A_51 : i32
    %dma_start3A = tpu.memref_slice %arg2[%mul3A_32, %add3A_52] : memref<152x262144xf32, #tpu.memory_space<hbm>> -> memref<19x2048xf32, #tpu.memory_space<hbm>>
    %dma_start3A_53 = tpu.memref_slice %arg2[%mul3A_32, %add3A_52] : memref<152x262144xf32, #tpu.memory_space<hbm>> -> memref<19x2048xf32, #tpu.memory_space<hbm>>
    tpu.enqueue_dma source(%dma_start3A_53 : memref<19x2048xf32, #tpu.memory_space<hbm>>) target(%arg5 : memref<19x2048xf32, #tpu.memory_space<vmem>>) target_semaphore(%arg10 : memref<!tpu.dma_semaphore, #tpu.memory_space<semaphore_mem>>)
    %add3A_54 = arith.addi %mul3A_34, %add3A_52 : i32
    %dma_start3A_55 = tpu.memref_slice %arg3[%add3A_54] : memref<2097152xi32, #tpu.memory_space<hbm>> -> memref<2048xi32, #tpu.memory_space<hbm>>
    %dma_start3A_56 = tpu.memref_slice %arg3[%add3A_54] : memref<2097152xi32, #tpu.memory_space<hbm>> -> memref<2048xi32, #tpu.memory_space<hbm>>
    tpu.enqueue_dma source(%dma_start3A_56 : memref<2048xi32, #tpu.memory_space<hbm>>) target(%arg6 : memref<2048xi32, #tpu.memory_space<vmem>>) target_semaphore(%arg10 : memref<!tpu.dma_semaphore, #tpu.memory_space<semaphore_mem>>)
    %add3A_57 = arith.constant 2048 : i32
    %add3A_58 = arith.addi %mul3A_36, %add3A_57 : i32
    %dma_start3A_59 = tpu.memref_slice %arg2[%mul3A_32, %add3A_58] : memref<152x262144xf32, #tpu.memory_space<hbm>> -> memref<19x2048xf32, #tpu.memory_space<hbm>>
    %dma_start3A_60 = tpu.memref_slice %arg2[%mul3A_32, %add3A_58] : memref<152x262144xf32, #tpu.memory_space<hbm>> -> memref<19x2048xf32, #tpu.memory_space<hbm>>
    tpu.enqueue_dma source(%dma_start3A_60 : memref<19x2048xf32, #tpu.memory_space<hbm>>) target(%arg7 : memref<19x2048xf32, #tpu.memory_space<vmem>>) target_semaphore(%arg11 : memref<!tpu.dma_semaphore, #tpu.memory_space<semaphore_mem>>)
    %add3A_61 = arith.addi %mul3A_34, %add3A_58 : i32
    %dma_start3A_62 = tpu.memref_slice %arg3[%add3A_61] : memref<2097152xi32, #tpu.memory_space<hbm>> -> memref<2048xi32, #tpu.memory_space<hbm>>
    %dma_start3A_63 = tpu.memref_slice %arg3[%add3A_61] : memref<2097152xi32, #tpu.memory_space<hbm>> -> memref<2048xi32, #tpu.memory_space<hbm>>
    tpu.enqueue_dma source(%dma_start3A_63 : memref<2048xi32, #tpu.memory_space<hbm>>) target(%arg8 : memref<2048xi32, #tpu.memory_space<vmem>>) target_semaphore(%arg11 : memref<!tpu.dma_semaphore, #tpu.memory_space<semaphore_mem>>)
    %scan3A_64 = arith.constant 0 : i32
    %scan3A_65 = arith.constant 0 : i32
    %scan3A_66 = arith.constant 16 : i32
    %scan3A_67 = arith.addi %scan3A_65, %scan3A_66 : i32
    %scan3A_68 = arith.constant 1 : i32
    scf.for %scan3A_72 = %scan3A_65 to %scan3A_67 step %scan3A_68  : i32 {
      %mul3A_73 = arith.constant 2 : i32
      %mul3A_74 = arith.muli %scan3A_72, %mul3A_73 : i32
      %mul3A_75 = arith.constant 2048 : i32
      %mul3A_76 = arith.muli %mul3A_74, %mul3A_75 : i32
      %add3A_77 = arith.addi %mul3A_36, %mul3A_76 : i32
      %dma_wait3A = tpu.memref_slice %arg2[%mul3A_32, %add3A_77] : memref<152x262144xf32, #tpu.memory_space<hbm>> -> memref<19x2048xf32, #tpu.memory_space<hbm>>
      %dma_wait3A_78 = tpu.memref_slice %arg2[%mul3A_32, %add3A_77] : memref<152x262144xf32, #tpu.memory_space<hbm>> -> memref<19x2048xf32, #tpu.memory_space<hbm>>
      tpu.wait_dma2 semaphore(%arg10 : memref<!tpu.dma_semaphore, #tpu.memory_space<semaphore_mem>>) src(%dma_wait3A_78 : memref<19x2048xf32, #tpu.memory_space<hbm>>) dst(%arg5 : memref<19x2048xf32, #tpu.memory_space<vmem>>)
      %add3A_79 = arith.addi %mul3A_34, %add3A_77 : i32
      %dma_wait3A_80 = tpu.memref_slice %arg3[%add3A_79] : memref<2097152xi32, #tpu.memory_space<hbm>> -> memref<2048xi32, #tpu.memory_space<hbm>>
      %dma_wait3A_81 = tpu.memref_slice %arg3[%add3A_79] : memref<2097152xi32, #tpu.memory_space<hbm>> -> memref<2048xi32, #tpu.memory_space<hbm>>
      tpu.wait_dma2 semaphore(%arg10 : memref<!tpu.dma_semaphore, #tpu.memory_space<semaphore_mem>>) src(%dma_wait3A_81 : memref<2048xi32, #tpu.memory_space<hbm>>) dst(%arg6 : memref<2048xi32, #tpu.memory_space<vmem>>)
      %scan3A_82 = arith.constant 0 : i32
      %scan3A_83 = arith.constant 0 : i32
      %scan3A_84 = arith.constant 32 : i32
      %scan3A_85 = arith.addi %scan3A_83, %scan3A_84 : i32
      %scan3A_86 = arith.constant 1 : i32
      scf.for %scan3A_116 = %scan3A_83 to %scan3A_85 step %scan3A_86  : i32 {
        %mul3A_117 = arith.constant 4 : i32
        %mul3A_118 = arith.muli %scan3A_116, %mul3A_117 : i32
        %add3A_119 = arith.constant 0 : i32
        %add3A_120 = arith.addi %mul3A_118, %add3A_119 : i32
        %mul3A_121 = arith.constant 16 : i32
        %mul3A_122 = arith.muli %add3A_120, %mul3A_121 : i32
        %get3A = arith.constant 0 : i32
        %get3A_123 = arith.index_cast %get3A : i32 to index
        %get3A_124 = arith.index_cast %mul3A_122 : i32 to index
        %get3A_125 = tpu.vector_load %arg5[%get3A_123, %get3A_124] {strides = array<i32>} : memref<19x2048xf32, #tpu.memory_space<vmem>>, vector<16xf32>,
        %broadcast_in_dim3A_126 = arith.constant 0 : i32
        %broadcast_in_dim3A_127 = vector.broadcast %broadcast_in_dim3A_126 : i32 to vector<16xi32>
        %get3A_128 = arith.constant 1 : i32
        %get3A_129 = arith.index_cast %get3A_128 : i32 to index
        %get3A_130 = arith.index_cast %mul3A_122 : i32 to index
        %get3A_131 = tpu.vector_load %arg5[%get3A_129, %get3A_130] {strides = array<i32>} : memref<19x2048xf32, #tpu.memory_space<vmem>>, vector<16xf32>,
        %gt3A = arith.cmpf ogt, %get3A_131, %get3A_125 : vector<16xf32>
        %select_n3A_132 = arith.select %gt3A, %get3A_131, %get3A_125 : vector<16xi1>, vector<16xf32>
        %broadcast_in_dim3A_133 = arith.constant 1 : i32
        %broadcast_in_dim3A_134 = vector.broadcast %broadcast_in_dim3A_133 : i32 to vector<16xi32>
        %select_n3A_135 = arith.select %gt3A, %broadcast_in_dim3A_134, %broadcast_in_dim3A_127 : vector<16xi1>, vector<16xi32>
        %get3A_136 = arith.constant 2 : i32
        %get3A_137 = arith.index_cast %get3A_136 : i32 to index
        %get3A_138 = arith.index_cast %mul3A_122 : i32 to index
        %get3A_139 = tpu.vector_load %arg5[%get3A_137, %get3A_138] {strides = array<i32>} : memref<19x2048xf32, #tpu.memory_space<vmem>>, vector<16xf32>,
        %gt3A_140 = arith.cmpf ogt, %get3A_139, %select_n3A_132 : vector<16xf32>
        %select_n3A_141 = arith.select %gt3A_140, %get3A_139, %select_n3A_132 : vector<16xi1>, vector<16xf32>
        %broadcast_in_dim3A_142 = arith.constant 2 : i32
        %broadcast_in_dim3A_143 = vector.broadcast %broadcast_in_dim3A_142 : i32 to vector<16xi32>
        %select_n3A_144 = arith.select %gt3A_140, %broadcast_in_dim3A_143, %select_n3A_135 : vector<16xi1>, vector<16xi32>
        %get3A_145 = arith.constant 3 : i32
        %get3A_146 = arith.index_cast %get3A_145 : i32 to index
        %get3A_147 = arith.index_cast %mul3A_122 : i32 to index
        %get3A_148 = tpu.vector_load %arg5[%get3A_146, %get3A_147] {strides = array<i32>} : memref<19x2048xf32, #tpu.memory_space<vmem>>, vector<16xf32>,
        %gt3A_149 = arith.cmpf ogt, %get3A_148, %select_n3A_141 : vector<16xf32>
        %select_n3A_150 = arith.select %gt3A_149, %get3A_148, %select_n3A_141 : vector<16xi1>, vector<16xf32>
        %broadcast_in_dim3A_151 = arith.constant 3 : i32
        %broadcast_in_dim3A_152 = vector.broadcast %broadcast_in_dim3A_151 : i32 to vector<16xi32>
        %select_n3A_153 = arith.select %gt3A_149, %broadcast_in_dim3A_152, %select_n3A_144 : vector<16xi1>, vector<16xi32>
        %get3A_154 = arith.constant 4 : i32
        %get3A_155 = arith.index_cast %get3A_154 : i32 to index
        %get3A_156 = arith.index_cast %mul3A_122 : i32 to index
        %get3A_157 = tpu.vector_load %arg5[%get3A_155, %get3A_156] {strides = array<i32>} : memref<19x2048xf32, #tpu.memory_space<vmem>>, vector<16xf32>,
        %gt3A_158 = arith.cmpf ogt, %get3A_157, %select_n3A_150 : vector<16xf32>
        %select_n3A_159 = arith.select %gt3A_158, %get3A_157, %select_n3A_150 : vector<16xi1>, vector<16xf32>
        %broadcast_in_dim3A_160 = arith.constant 4 : i32
        %broadcast_in_dim3A_161 = vector.broadcast %broadcast_in_dim3A_160 : i32 to vector<16xi32>
        %select_n3A_162 = arith.select %gt3A_158, %broadcast_in_dim3A_161, %select_n3A_153 : vector<16xi1>, vector<16xi32>
        %get3A_163 = arith.constant 5 : i32
        %get3A_164 = arith.index_cast %get3A_163 : i32 to index
        %get3A_165 = arith.index_cast %mul3A_122 : i32 to index
        %get3A_166 = tpu.vector_load %arg5[%get3A_164, %get3A_165] {strides = array<i32>} : memref<19x2048xf32, #tpu.memory_space<vmem>>, vector<16xf32>,
        %gt3A_167 = arith.cmpf ogt, %get3A_166, %select_n3A_159 : vector<16xf32>
        %select_n3A_168 = arith.select %gt3A_167, %get3A_166, %select_n3A_159 : vector<16xi1>, vector<16xf32>
        %broadcast_in_dim3A_169 = arith.constant 5 : i32
        %broadcast_in_dim3A_170 = vector.broadcast %broadcast_in_dim3A_169 : i32 to vector<16xi32>
        %select_n3A_171 = arith.select %gt3A_167, %broadcast_in_dim3A_170, %select_n3A_162 : vector<16xi1>, vector<16xi32>
        %get3A_172 = arith.constant 6 : i32
        %get3A_173 = arith.index_cast %get3A_172 : i32 to index
        %get3A_174 = arith.index_cast %mul3A_122 : i32 to index
        %get3A_175 = tpu.vector_load %arg5[%get3A_173, %get3A_174] {strides = array<i32>} : memref<19x2048xf32, #tpu.memory_space<vmem>>, vector<16xf32>,
        %gt3A_176 = arith.cmpf ogt, %get3A_175, %select_n3A_168 : vector<16xf32>
        %select_n3A_177 = arith.select %gt3A_176, %get3A_175, %select_n3A_168 : vector<16xi1>, vector<16xf32>
        %broadcast_in_dim3A_178 = arith.constant 6 : i32
        %broadcast_in_dim3A_179 = vector.broadcast %broadcast_in_dim3A_178 : i32 to vector<16xi32>
        %select_n3A_180 = arith.select %gt3A_176, %broadcast_in_dim3A_179, %select_n3A_171 : vector<16xi1>, vector<16xi32>
        %get3A_181 = arith.constant 7 : i32
        %get3A_182 = arith.index_cast %get3A_181 : i32 to index
        %get3A_183 = arith.index_cast %mul3A_122 : i32 to index
        %get3A_184 = tpu.vector_load %arg5[%get3A_182, %get3A_183] {strides = array<i32>} : memref<19x2048xf32, #tpu.memory_space<vmem>>, vector<16xf32>,
        %gt3A_185 = arith.cmpf ogt, %get3A_184, %select_n3A_177 : vector<16xf32>
        %select_n3A_186 = arith.select %gt3A_185, %get3A_184, %select_n3A_177 : vector<16xi1>, vector<16xf32>
        %broadcast_in_dim3A_187 = arith.constant 7 : i32
        %broadcast_in_dim3A_188 = vector.broadcast %broadcast_in_dim3A_187 : i32 to vector<16xi32>
        %select_n3A_189 = arith.select %gt3A_185, %broadcast_in_dim3A_188, %select_n3A_180 : vector<16xi1>, vector<16xi32>
        %get3A_190 = arith.constant 8 : i32
        %get3A_191 = arith.index_cast %get3A_190 : i32 to index
        %get3A_192 = arith.index_cast %mul3A_122 : i32 to index
        %get3A_193 = tpu.vector_load %arg5[%get3A_191, %get3A_192] {strides = array<i32>} : memref<19x2048xf32, #tpu.memory_space<vmem>>, vector<16xf32>,
        %gt3A_194 = arith.cmpf ogt, %get3A_193, %select_n3A_186 : vector<16xf32>
        %select_n3A_195 = arith.select %gt3A_194, %get3A_193, %select_n3A_186 : vector<16xi1>, vector<16xf32>
        %broadcast_in_dim3A_196 = arith.constant 8 : i32
        %broadcast_in_dim3A_197 = vector.broadcast %broadcast_in_dim3A_196 : i32 to vector<16xi32>
        %select_n3A_198 = arith.select %gt3A_194, %broadcast_in_dim3A_197, %select_n3A_189 : vector<16xi1>, vector<16xi32>
        %get3A_199 = arith.constant 9 : i32
        %get3A_200 = arith.index_cast %get3A_199 : i32 to index
        %get3A_201 = arith.index_cast %mul3A_122 : i32 to index
        %get3A_202 = tpu.vector_load %arg5[%get3A_200, %get3A_201] {strides = array<i32>} : memref<19x2048xf32, #tpu.memory_space<vmem>>, vector<16xf32>,
        %gt3A_203 = arith.cmpf ogt, %get3A_202, %select_n3A_195 : vector<16xf32>
        %select_n3A_204 = arith.select %gt3A_203, %get3A_202, %select_n3A_195 : vector<16xi1>, vector<16xf32>
        %broadcast_in_dim3A_205 = arith.constant 9 : i32
        %broadcast_in_dim3A_206 = vector.broadcast %broadcast_in_dim3A_205 : i32 to vector<16xi32>
        %select_n3A_207 = arith.select %gt3A_203, %broadcast_in_dim3A_206, %select_n3A_198 : vector<16xi1>, vector<16xi32>
        %get3A_208 = arith.constant 10 : i32
        %get3A_209 = arith.index_cast %get3A_208 : i32 to index
        %get3A_210 = arith.index_cast %mul3A_122 : i32 to index
        %get3A_211 = tpu.vector_load %arg5[%get3A_209, %get3A_210] {strides = array<i32>} : memref<19x2048xf32, #tpu.memory_space<vmem>>, vector<16xf32>,
        %gt3A_212 = arith.cmpf ogt, %get3A_211, %select_n3A_204 : vector<16xf32>
        %select_n3A_213 = arith.select %gt3A_212, %get3A_211, %select_n3A_204 : vector<16xi1>, vector<16xf32>
        %broadcast_in_dim3A_214 = arith.constant 10 : i32
        %broadcast_in_dim3A_215 = vector.broadcast %broadcast_in_dim3A_214 : i32 to vector<16xi32>
        %select_n3A_216 = arith.select %gt3A_212, %broadcast_in_dim3A_215, %select_n3A_207 : vector<16xi1>, vector<16xi32>
        %get3A_217 = arith.constant 11 : i32
        %get3A_218 = arith.index_cast %get3A_217 : i32 to index
        %get3A_219 = arith.index_cast %mul3A_122 : i32 to index
        %get3A_220 = tpu.vector_load %arg5[%get3A_218, %get3A_219] {strides = array<i32>} : memref<19x2048xf32, #tpu.memory_space<vmem>>, vector<16xf32>,
        %gt3A_221 = arith.cmpf ogt, %get3A_220, %select_n3A_213 : vector<16xf32>
        %select_n3A_222 = arith.select %gt3A_221, %get3A_220, %select_n3A_213 : vector<16xi1>, vector<16xf32>
        %broadcast_in_dim3A_223 = arith.constant 11 : i32
        %broadcast_in_dim3A_224 = vector.broadcast %broadcast_in_dim3A_223 : i32 to vector<16xi32>
        %select_n3A_225 = arith.select %gt3A_221, %broadcast_in_dim3A_224, %select_n3A_216 : vector<16xi1>, vector<16xi32>
        %get3A_226 = arith.constant 12 : i32
        %get3A_227 = arith.index_cast %get3A_226 : i32 to index
        %get3A_228 = arith.index_cast %mul3A_122 : i32 to index
        %get3A_229 = tpu.vector_load %arg5[%get3A_227, %get3A_228] {strides = array<i32>} : memref<19x2048xf32, #tpu.memory_space<vmem>>, vector<16xf32>,
        %gt3A_230 = arith.cmpf ogt, %get3A_229, %select_n3A_222 : vector<16xf32>
        %select_n3A_231 = arith.select %gt3A_230, %get3A_229, %select_n3A_222 : vector<16xi1>, vector<16xf32>
        %broadcast_in_dim3A_232 = arith.constant 12 : i32
        %broadcast_in_dim3A_233 = vector.broadcast %broadcast_in_dim3A_232 : i32 to vector<16xi32>
        %select_n3A_234 = arith.select %gt3A_230, %broadcast_in_dim3A_233, %select_n3A_225 : vector<16xi1>, vector<16xi32>
        %get3A_235 = arith.constant 13 : i32
        %get3A_236 = arith.index_cast %get3A_235 : i32 to index
        %get3A_237 = arith.index_cast %mul3A_122 : i32 to index
        %get3A_238 = tpu.vector_load %arg5[%get3A_236, %get3A_237] {strides = array<i32>} : memref<19x2048xf32, #tpu.memory_space<vmem>>, vector<16xf32>,
        %gt3A_239 = arith.cmpf ogt, %get3A_238, %select_n3A_231 : vector<16xf32>
        %select_n3A_240 = arith.select %gt3A_239, %get3A_238, %select_n3A_231 : vector<16xi1>, vector<16xf32>
        %broadcast_in_dim3A_241 = arith.constant 13 : i32
        %broadcast_in_dim3A_242 = vector.broadcast %broadcast_in_dim3A_241 : i32 to vector<16xi32>
        %select_n3A_243 = arith.select %gt3A_239, %broadcast_in_dim3A_242, %select_n3A_234 : vector<16xi1>, vector<16xi32>
        %get3A_244 = arith.constant 14 : i32
        %get3A_245 = arith.index_cast %get3A_244 : i32 to index
        %get3A_246 = arith.index_cast %mul3A_122 : i32 to index
        %get3A_247 = tpu.vector_load %arg5[%get3A_245, %get3A_246] {strides = array<i32>} : memref<19x2048xf32, #tpu.memory_space<vmem>>, vector<16xf32>,
        %gt3A_248 = arith.cmpf ogt, %get3A_247, %select_n3A_240 : vector<16xf32>
        %select_n3A_249 = arith.select %gt3A_248, %get3A_247, %select_n3A_240 : vector<16xi1>, vector<16xf32>
        %broadcast_in_dim3A_250 = arith.constant 14 : i32
        %broadcast_in_dim3A_251 = vector.broadcast %broadcast_in_dim3A_250 : i32 to vector<16xi32>
        %select_n3A_252 = arith.select %gt3A_248, %broadcast_in_dim3A_251, %select_n3A_243 : vector<16xi1>, vector<16xi32>
        %get3A_253 = arith.constant 15 : i32
        %get3A_254 = arith.index_cast %get3A_253 : i32 to index
        %get3A_255 = arith.index_cast %mul3A_122 : i32 to index
        %get3A_256 = tpu.vector_load %arg5[%get3A_254, %get3A_255] {strides = array<i32>} : memref<19x2048xf32, #tpu.memory_space<vmem>>, vector<16xf32>,
        %gt3A_257 = arith.cmpf ogt, %get3A_256, %select_n3A_249 : vector<16xf32>
        %select_n3A_258 = arith.select %gt3A_257, %get3A_256, %select_n3A_249 : vector<16xi1>, vector<16xf32>
        %broadcast_in_dim3A_259 = arith.constant 15 : i32
        %broadcast_in_dim3A_260 = vector.broadcast %broadcast_in_dim3A_259 : i32 to vector<16xi32>
        %select_n3A_261 = arith.select %gt3A_257, %broadcast_in_dim3A_260, %select_n3A_252 : vector<16xi1>, vector<16xi32>
        %get3A_262 = arith.constant 16 : i32
        %get3A_263 = arith.index_cast %get3A_262 : i32 to index
        %get3A_264 = arith.index_cast %mul3A_122 : i32 to index
        %get3A_265 = tpu.vector_load %arg5[%get3A_263, %get3A_264] {strides = array<i32>} : memref<19x2048xf32, #tpu.memory_space<vmem>>, vector<16xf32>,
        %gt3A_266 = arith.cmpf ogt, %get3A_265, %select_n3A_258 : vector<16xf32>
        %select_n3A_267 = arith.select %gt3A_266, %get3A_265, %select_n3A_258 : vector<16xi1>, vector<16xf32>
        %broadcast_in_dim3A_268 = arith.constant 16 : i32
        %broadcast_in_dim3A_269 = vector.broadcast %broadcast_in_dim3A_268 : i32 to vector<16xi32>
        %select_n3A_270 = arith.select %gt3A_266, %broadcast_in_dim3A_269, %select_n3A_261 : vector<16xi1>, vector<16xi32>
        %get3A_271 = arith.constant 17 : i32
        %get3A_272 = arith.index_cast %get3A_271 : i32 to index
        %get3A_273 = arith.index_cast %mul3A_122 : i32 to index
        %get3A_274 = tpu.vector_load %arg5[%get3A_272, %get3A_273] {strides = array<i32>} : memref<19x2048xf32, #tpu.memory_space<vmem>>, vector<16xf32>,
        %gt3A_275 = arith.cmpf ogt, %get3A_274, %select_n3A_267 : vector<16xf32>
        %select_n3A_276 = arith.select %gt3A_275, %get3A_274, %select_n3A_267 : vector<16xi1>, vector<16xf32>
        %broadcast_in_dim3A_277 = arith.constant 17 : i32
        %broadcast_in_dim3A_278 = vector.broadcast %broadcast_in_dim3A_277 : i32 to vector<16xi32>
        %select_n3A_279 = arith.select %gt3A_275, %broadcast_in_dim3A_278, %select_n3A_270 : vector<16xi1>, vector<16xi32>
        %get3A_280 = arith.constant 18 : i32
        %get3A_281 = arith.index_cast %get3A_280 : i32 to index
        %get3A_282 = arith.index_cast %mul3A_122 : i32 to index
        %get3A_283 = tpu.vector_load %arg5[%get3A_281, %get3A_282] {strides = array<i32>} : memref<19x2048xf32, #tpu.memory_space<vmem>>, vector<16xf32>,
        %gt3A_284 = arith.cmpf ogt, %get3A_283, %select_n3A_276 : vector<16xf32>
        %select_n3A_285 = arith.select %gt3A_284, %get3A_283, %select_n3A_276 : vector<16xi1>, vector<16xf32>
        %broadcast_in_dim3A_286 = arith.constant 18 : i32
        %broadcast_in_dim3A_287 = vector.broadcast %broadcast_in_dim3A_286 : i32 to vector<16xi32>
        %select_n3A_288 = arith.select %gt3A_284, %broadcast_in_dim3A_287, %select_n3A_279 : vector<16xi1>, vector<16xi32>
        %get3A_289 = arith.index_cast %mul3A_122 : i32 to index
        %get3A_290 = tpu.vector_load %arg6[%get3A_289] {strides = array<i32>} : memref<2048xi32, #tpu.memory_space<vmem>>, vector<16xi32>,
        %mul3A_291 = arith.constant 32 : i32
        %mul3A_292 = vector.broadcast %mul3A_291 : i32 to vector<16xi32>
        %mul3A_293 = arith.muli %get3A_290, %mul3A_292 : vector<16xi32>
        %add3A_294 = arith.addi %mul3A_45, %mul3A_293 : vector<16xi32>
        %add3A_295 = arith.addi %add3A_294, %select_n3A_288 : vector<16xi32>
        tpu.vector_store_idx %arg9[%add3A_295], %broadcast_in_dim3A_50 {add = true} : memref<16384xf32, #tpu.memory_space<vmem>>[vector<16xi32>], vector<16xf32>,
        %add3A_296 = arith.addi %add3A_48, %get3A_290 : vector<16xi32>
        tpu.vector_store_idx %arg9[%add3A_296], %broadcast_in_dim3A_50 {add = true} : memref<16384xf32, #tpu.memory_space<vmem>>[vector<16xi32>], vector<16xf32>,
        %mul3A_297 = arith.constant 4 : i32
        %mul3A_298 = arith.muli %scan3A_116, %mul3A_297 : i32
        %add3A_299 = arith.constant 1 : i32
        %add3A_300 = arith.addi %mul3A_298, %add3A_299 : i32
        %mul3A_301 = arith.constant 16 : i32
        %mul3A_302 = arith.muli %add3A_300, %mul3A_301 : i32
        %get3A_303 = arith.constant 0 : i32
        %get3A_304 = arith.index_cast %get3A_303 : i32 to index
        %get3A_305 = arith.index_cast %mul3A_302 : i32 to index
        %get3A_306 = tpu.vector_load %arg5[%get3A_304, %get3A_305] {strides = array<i32>} : memref<19x2048xf32, #tpu.memory_space<vmem>>, vector<16xf32>,
        %broadcast_in_dim3A_307 = arith.constant 0 : i32
        %broadcast_in_dim3A_308 = vector.broadcast %broadcast_in_dim3A_307 : i32 to vector<16xi32>
        %get3A_309 = arith.constant 1 : i32
        %get3A_310 = arith.index_cast %get3A_309 : i32 to index
        %get3A_311 = arith.index_cast %mul3A_302 : i32 to index
        %get3A_312 = tpu.vector_load %arg5[%get3A_310, %get3A_311] {strides = array<i32>} : memref<19x2048xf32, #tpu.memory_space<vmem>>, vector<16xf32>,
        %gt3A_313 = arith.cmpf ogt, %get3A_312, %get3A_306 : vector<16xf32>
        %select_n3A_314 = arith.select %gt3A_313, %get3A_312, %get3A_306 : vector<16xi1>, vector<16xf32>
        %broadcast_in_dim3A_315 = arith.constant 1 : i32
        %broadcast_in_dim3A_316 = vector.broadcast %broadcast_in_dim3A_315 : i32 to vector<16xi32>
        %select_n3A_317 = arith.select %gt3A_313, %broadcast_in_dim3A_316, %broadcast_in_dim3A_308 : vector<16xi1>, vector<16xi32>
        %get3A_318 = arith.constant 2 : i32
        %get3A_319 = arith.index_cast %get3A_318 : i32 to index
        %get3A_320 = arith.index_cast %mul3A_302 : i32 to index
        %get3A_321 = tpu.vector_load %arg5[%get3A_319, %get3A_320] {strides = array<i32>} : memref<19x2048xf32, #tpu.memory_space<vmem>>, vector<16xf32>,
        %gt3A_322 = arith.cmpf ogt, %get3A_321, %select_n3A_314 : vector<16xf32>
        %select_n3A_323 = arith.select %gt3A_322, %get3A_321, %select_n3A_314 : vector<16xi1>, vector<16xf32>
        %broadcast_in_dim3A_324 = arith.constant 2 : i32
        %broadcast_in_dim3A_325 = vector.broadcast %broadcast_in_dim3A_324 : i32 to vector<16xi32>
        %select_n3A_326 = arith.select %gt3A_322, %broadcast_in_dim3A_325, %select_n3A_317 : vector<16xi1>, vector<16xi32>
        %get3A_327 = arith.constant 3 : i32
        %get3A_328 = arith.index_cast %get3A_327 : i32 to index
        %get3A_329 = arith.index_cast %mul3A_302 : i32 to index
        %get3A_330 = tpu.vector_load %arg5[%get3A_328, %get3A_329] {strides = array<i32>} : memref<19x2048xf32, #tpu.memory_space<vmem>>, vector<16xf32>,
        %gt3A_331 = arith.cmpf ogt, %get3A_330, %select_n3A_323 : vector<16xf32>
        %select_n3A_332 = arith.select %gt3A_331, %get3A_330, %select_n3A_323 : vector<16xi1>, vector<16xf32>
        %broadcast_in_dim3A_333 = arith.constant 3 : i32
        %broadcast_in_dim3A_334 = vector.broadcast %broadcast_in_dim3A_333 : i32 to vector<16xi32>
        %select_n3A_335 = arith.select %gt3A_331, %broadcast_in_dim3A_334, %select_n3A_326 : vector<16xi1>, vector<16xi32>
        %get3A_336 = arith.constant 4 : i32
        %get3A_337 = arith.index_cast %get3A_336 : i32 to index
        %get3A_338 = arith.index_cast %mul3A_302 : i32 to index
        %get3A_339 = tpu.vector_load %arg5[%get3A_337, %get3A_338] {strides = array<i32>} : memref<19x2048xf32, #tpu.memory_space<vmem>>, vector<16xf32>,
        %gt3A_340 = arith.cmpf ogt, %get3A_339, %select_n3A_332 : vector<16xf32>
        %select_n3A_341 = arith.select %gt3A_340, %get3A_339, %select_n3A_332 : vector<16xi1>, vector<16xf32>
        %broadcast_in_dim3A_342 = arith.constant 4 : i32
        %broadcast_in_dim3A_343 = vector.broadcast %broadcast_in_dim3A_342 : i32 to vector<16xi32>
        %select_n3A_344 = arith.select %gt3A_340, %broadcast_in_dim3A_343, %select_n3A_335 : vector<16xi1>, vector<16xi32>
        %get3A_345 = arith.constant 5 : i32
        %get3A_346 = arith.index_cast %get3A_345 : i32 to index
        %get3A_347 = arith.index_cast %mul3A_302 : i32 to index
        %get3A_348 = tpu.vector_load %arg5[%get3A_346, %get3A_347] {strides = array<i32>} : memref<19x2048xf32, #tpu.memory_space<vmem>>, vector<16xf32>,
        %gt3A_349 = arith.cmpf ogt, %get3A_348, %select_n3A_341 : vector<16xf32>
        %select_n3A_350 = arith.select %gt3A_349, %get3A_348, %select_n3A_341 : vector<16xi1>, vector<16xf32>
        %broadcast_in_dim3A_351 = arith.constant 5 : i32
        %broadcast_in_dim3A_352 = vector.broadcast %broadcast_in_dim3A_351 : i32 to vector<16xi32>
        %select_n3A_353 = arith.select %gt3A_349, %broadcast_in_dim3A_352, %select_n3A_344 : vector<16xi1>, vector<16xi32>
        %get3A_354 = arith.constant 6 : i32
        %get3A_355 = arith.index_cast %get3A_354 : i32 to index
        %get3A_356 = arith.index_cast %mul3A_302 : i32 to index
        %get3A_357 = tpu.vector_load %arg5[%get3A_355, %get3A_356] {strides = array<i32>} : memref<19x2048xf32, #tpu.memory_space<vmem>>, vector<16xf32>,
        %gt3A_358 = arith.cmpf ogt, %get3A_357, %select_n3A_350 : vector<16xf32>
        %select_n3A_359 = arith.select %gt3A_358, %get3A_357, %select_n3A_350 : vector<16xi1>, vector<16xf32>
        %broadcast_in_dim3A_360 = arith.constant 6 : i32
        %broadcast_in_dim3A_361 = vector.broadcast %broadcast_in_dim3A_360 : i32 to vector<16xi32>
        %select_n3A_362 = arith.select %gt3A_358, %broadcast_in_dim3A_361, %select_n3A_353 : vector<16xi1>, vector<16xi32>
        %get3A_363 = arith.constant 7 : i32
        %get3A_364 = arith.index_cast %get3A_363 : i32 to index
        %get3A_365 = arith.index_cast %mul3A_302 : i32 to index
        %get3A_366 = tpu.vector_load %arg5[%get3A_364, %get3A_365] {strides = array<i32>} : memref<19x2048xf32, #tpu.memory_space<vmem>>, vector<16xf32>,
        %gt3A_367 = arith.cmpf ogt, %get3A_366, %select_n3A_359 : vector<16xf32>
        %select_n3A_368 = arith.select %gt3A_367, %get3A_366, %select_n3A_359 : vector<16xi1>, vector<16xf32>
        %broadcast_in_dim3A_369 = arith.constant 7 : i32
        %broadcast_in_dim3A_370 = vector.broadcast %broadcast_in_dim3A_369 : i32 to vector<16xi32>
        %select_n3A_371 = arith.select %gt3A_367, %broadcast_in_dim3A_370, %select_n3A_362 : vector<16xi1>, vector<16xi32>
        %get3A_372 = arith.constant 8 : i32
        %get3A_373 = arith.index_cast %get3A_372 : i32 to index
        %get3A_374 = arith.index_cast %mul3A_302 : i32 to index
        %get3A_375 = tpu.vector_load %arg5[%get3A_373, %get3A_374] {strides = array<i32>} : memref<19x2048xf32, #tpu.memory_space<vmem>>, vector<16xf32>,
        %gt3A_376 = arith.cmpf ogt, %get3A_375, %select_n3A_368 : vector<16xf32>
        %select_n3A_377 = arith.select %gt3A_376, %get3A_375, %select_n3A_368 : vector<16xi1>, vector<16xf32>
        %broadcast_in_dim3A_378 = arith.constant 8 : i32
        %broadcast_in_dim3A_379 = vector.broadcast %broadcast_in_dim3A_378 : i32 to vector<16xi32>
        %select_n3A_380 = arith.select %gt3A_376, %broadcast_in_dim3A_379, %select_n3A_371 : vector<16xi1>, vector<16xi32>
        %get3A_381 = arith.constant 9 : i32
        %get3A_382 = arith.index_cast %get3A_381 : i32 to index
        %get3A_383 = arith.index_cast %mul3A_302 : i32 to index
        %get3A_384 = tpu.vector_load %arg5[%get3A_382, %get3A_383] {strides = array<i32>} : memref<19x2048xf32, #tpu.memory_space<vmem>>, vector<16xf32>,
        %gt3A_385 = arith.cmpf ogt, %get3A_384, %select_n3A_377 : vector<16xf32>
        %select_n3A_386 = arith.select %gt3A_385, %get3A_384, %select_n3A_377 : vector<16xi1>, vector<16xf32>
        %broadcast_in_dim3A_387 = arith.constant 9 : i32
        %broadcast_in_dim3A_388 = vector.broadcast %broadcast_in_dim3A_387 : i32 to vector<16xi32>
        %select_n3A_389 = arith.select %gt3A_385, %broadcast_in_dim3A_388, %select_n3A_380 : vector<16xi1>, vector<16xi32>
        %get3A_390 = arith.constant 10 : i32
        %get3A_391 = arith.index_cast %get3A_390 : i32 to index
        %get3A_392 = arith.index_cast %mul3A_302 : i32 to index
        %get3A_393 = tpu.vector_load %arg5[%get3A_391, %get3A_392] {strides = array<i32>} : memref<19x2048xf32, #tpu.memory_space<vmem>>, vector<16xf32>,
        %gt3A_394 = arith.cmpf ogt, %get3A_393, %select_n3A_386 : vector<16xf32>
        %select_n3A_395 = arith.select %gt3A_394, %get3A_393, %select_n3A_386 : vector<16xi1>, vector<16xf32>
        %broadcast_in_dim3A_396 = arith.constant 10 : i32
        %broadcast_in_dim3A_397 = vector.broadcast %broadcast_in_dim3A_396 : i32 to vector<16xi32>
        %select_n3A_398 = arith.select %gt3A_394, %broadcast_in_dim3A_397, %select_n3A_389 : vector<16xi1>, vector<16xi32>
        %get3A_399 = arith.constant 11 : i32
        %get3A_400 = arith.index_cast %get3A_399 : i32 to index
        %get3A_401 = arith.index_cast %mul3A_302 : i32 to index
        %get3A_402 = tpu.vector_load %arg5[%get3A_400, %get3A_401] {strides = array<i32>} : memref<19x2048xf32, #tpu.memory_space<vmem>>, vector<16xf32>,
        %gt3A_403 = arith.cmpf ogt, %get3A_402, %select_n3A_395 : vector<16xf32>
        %select_n3A_404 = arith.select %gt3A_403, %get3A_402, %select_n3A_395 : vector<16xi1>, vector<16xf32>
        %broadcast_in_dim3A_405 = arith.constant 11 : i32
        %broadcast_in_dim3A_406 = vector.broadcast %broadcast_in_dim3A_405 : i32 to vector<16xi32>
        %select_n3A_407 = arith.select %gt3A_403, %broadcast_in_dim3A_406, %select_n3A_398 : vector<16xi1>, vector<16xi32>
        %get3A_408 = arith.constant 12 : i32
        %get3A_409 = arith.index_cast %get3A_408 : i32 to index
        %get3A_410 = arith.index_cast %mul3A_302 : i32 to index
        %get3A_411 = tpu.vector_load %arg5[%get3A_409, %get3A_410] {strides = array<i32>} : memref<19x2048xf32, #tpu.memory_space<vmem>>, vector<16xf32>,
        %gt3A_412 = arith.cmpf ogt, %get3A_411, %select_n3A_404 : vector<16xf32>
        %select_n3A_413 = arith.select %gt3A_412, %get3A_411, %select_n3A_404 : vector<16xi1>, vector<16xf32>
        %broadcast_in_dim3A_414 = arith.constant 12 : i32
        %broadcast_in_dim3A_415 = vector.broadcast %broadcast_in_dim3A_414 : i32 to vector<16xi32>
        %select_n3A_416 = arith.select %gt3A_412, %broadcast_in_dim3A_415, %select_n3A_407 : vector<16xi1>, vector<16xi32>
        %get3A_417 = arith.constant 13 : i32
        %get3A_418 = arith.index_cast %get3A_417 : i32 to index
        %get3A_419 = arith.index_cast %mul3A_302 : i32 to index
        %get3A_420 = tpu.vector_load %arg5[%get3A_418, %get3A_419] {strides = array<i32>} : memref<19x2048xf32, #tpu.memory_space<vmem>>, vector<16xf32>,
        %gt3A_421 = arith.cmpf ogt, %get3A_420, %select_n3A_413 : vector<16xf32>
        %select_n3A_422 = arith.select %gt3A_421, %get3A_420, %select_n3A_413 : vector<16xi1>, vector<16xf32>
        %broadcast_in_dim3A_423 = arith.constant 13 : i32
        %broadcast_in_dim3A_424 = vector.broadcast %broadcast_in_dim3A_423 : i32 to vector<16xi32>
        %select_n3A_425 = arith.select %gt3A_421, %broadcast_in_dim3A_424, %select_n3A_416 : vector<16xi1>, vector<16xi32>
        %get3A_426 = arith.constant 14 : i32
        %get3A_427 = arith.index_cast %get3A_426 : i32 to index
        %get3A_428 = arith.index_cast %mul3A_302 : i32 to index
        %get3A_429 = tpu.vector_load %arg5[%get3A_427, %get3A_428] {strides = array<i32>} : memref<19x2048xf32, #tpu.memory_space<vmem>>, vector<16xf32>,
        %gt3A_430 = arith.cmpf ogt, %get3A_429, %select_n3A_422 : vector<16xf32>
        %select_n3A_431 = arith.select %gt3A_430, %get3A_429, %select_n3A_422 : vector<16xi1>, vector<16xf32>
        %broadcast_in_dim3A_432 = arith.constant 14 : i32
        %broadcast_in_dim3A_433 = vector.broadcast %broadcast_in_dim3A_432 : i32 to vector<16xi32>
        %select_n3A_434 = arith.select %gt3A_430, %broadcast_in_dim3A_433, %select_n3A_425 : vector<16xi1>, vector<16xi32>
        %get3A_435 = arith.constant 15 : i32
        %get3A_436 = arith.index_cast %get3A_435 : i32 to index
        %get3A_437 = arith.index_cast %mul3A_302 : i32 to index
        %get3A_438 = tpu.vector_load %arg5[%get3A_436, %get3A_437] {strides = array<i32>} : memref<19x2048xf32, #tpu.memory_space<vmem>>, vector<16xf32>,
        %gt3A_439 = arith.cmpf ogt, %get3A_438, %select_n3A_431 : vector<16xf32>
        %select_n3A_440 = arith.select %gt3A_439, %get3A_438, %select_n3A_431 : vector<16xi1>, vector<16xf32>
        %broadcast_in_dim3A_441 = arith.constant 15 : i32
        %broadcast_in_dim3A_442 = vector.broadcast %broadcast_in_dim3A_441 : i32 to vector<16xi32>
        %select_n3A_443 = arith.select %gt3A_439, %broadcast_in_dim3A_442, %select_n3A_434 : vector<16xi1>, vector<16xi32>
        %get3A_444 = arith.constant 16 : i32
        %get3A_445 = arith.index_cast %get3A_444 : i32 to index
        %get3A_446 = arith.index_cast %mul3A_302 : i32 to index
        %get3A_447 = tpu.vector_load %arg5[%get3A_445, %get3A_446] {strides = array<i32>} : memref<19x2048xf32, #tpu.memory_space<vmem>>, vector<16xf32>,
        %gt3A_448 = arith.cmpf ogt, %get3A_447, %select_n3A_440 : vector<16xf32>
        %select_n3A_449 = arith.select %gt3A_448, %get3A_447, %select_n3A_440 : vector<16xi1>, vector<16xf32>
        %broadcast_in_dim3A_450 = arith.constant 16 : i32
        %broadcast_in_dim3A_451 = vector.broadcast %broadcast_in_dim3A_450 : i32 to vector<16xi32>
        %select_n3A_452 = arith.select %gt3A_448, %broadcast_in_dim3A_451, %select_n3A_443 : vector<16xi1>, vector<16xi32>
        %get3A_453 = arith.constant 17 : i32
        %get3A_454 = arith.index_cast %get3A_453 : i32 to index
        %get3A_455 = arith.index_cast %mul3A_302 : i32 to index
        %get3A_456 = tpu.vector_load %arg5[%get3A_454, %get3A_455] {strides = array<i32>} : memref<19x2048xf32, #tpu.memory_space<vmem>>, vector<16xf32>,
        %gt3A_457 = arith.cmpf ogt, %get3A_456, %select_n3A_449 : vector<16xf32>
        %select_n3A_458 = arith.select %gt3A_457, %get3A_456, %select_n3A_449 : vector<16xi1>, vector<16xf32>
        %broadcast_in_dim3A_459 = arith.constant 17 : i32
        %broadcast_in_dim3A_460 = vector.broadcast %broadcast_in_dim3A_459 : i32 to vector<16xi32>
        %select_n3A_461 = arith.select %gt3A_457, %broadcast_in_dim3A_460, %select_n3A_452 : vector<16xi1>, vector<16xi32>
        %get3A_462 = arith.constant 18 : i32
        %get3A_463 = arith.index_cast %get3A_462 : i32 to index
        %get3A_464 = arith.index_cast %mul3A_302 : i32 to index
        %get3A_465 = tpu.vector_load %arg5[%get3A_463, %get3A_464] {strides = array<i32>} : memref<19x2048xf32, #tpu.memory_space<vmem>>, vector<16xf32>,
        %gt3A_466 = arith.cmpf ogt, %get3A_465, %select_n3A_458 : vector<16xf32>
        %select_n3A_467 = arith.select %gt3A_466, %get3A_465, %select_n3A_458 : vector<16xi1>, vector<16xf32>
        %broadcast_in_dim3A_468 = arith.constant 18 : i32
        %broadcast_in_dim3A_469 = vector.broadcast %broadcast_in_dim3A_468 : i32 to vector<16xi32>
        %select_n3A_470 = arith.select %gt3A_466, %broadcast_in_dim3A_469, %select_n3A_461 : vector<16xi1>, vector<16xi32>
        %get3A_471 = arith.index_cast %mul3A_302 : i32 to index
        %get3A_472 = tpu.vector_load %arg6[%get3A_471] {strides = array<i32>} : memref<2048xi32, #tpu.memory_space<vmem>>, vector<16xi32>,
        %mul3A_473 = arith.constant 32 : i32
        %mul3A_474 = vector.broadcast %mul3A_473 : i32 to vector<16xi32>
        %mul3A_475 = arith.muli %get3A_472, %mul3A_474 : vector<16xi32>
        %add3A_476 = arith.addi %mul3A_45, %mul3A_475 : vector<16xi32>
        %add3A_477 = arith.addi %add3A_476, %select_n3A_470 : vector<16xi32>
        tpu.vector_store_idx %arg9[%add3A_477], %broadcast_in_dim3A_50 {add = true} : memref<16384xf32, #tpu.memory_space<vmem>>[vector<16xi32>], vector<16xf32>,
        %add3A_478 = arith.addi %add3A_48, %get3A_472 : vector<16xi32>
        tpu.vector_store_idx %arg9[%add3A_478], %broadcast_in_dim3A_50 {add = true} : memref<16384xf32, #tpu.memory_space<vmem>>[vector<16xi32>], vector<16xf32>,
        %mul3A_479 = arith.constant 4 : i32
        %mul3A_480 = arith.muli %scan3A_116, %mul3A_479 : i32
        %add3A_481 = arith.constant 2 : i32
        %add3A_482 = arith.addi %mul3A_480, %add3A_481 : i32
        %mul3A_483 = arith.constant 16 : i32
        %mul3A_484 = arith.muli %add3A_482, %mul3A_483 : i32
        %get3A_485 = arith.constant 0 : i32
        %get3A_486 = arith.index_cast %get3A_485 : i32 to index
        %get3A_487 = arith.index_cast %mul3A_484 : i32 to index
        %get3A_488 = tpu.vector_load %arg5[%get3A_486, %get3A_487] {strides = array<i32>} : memref<19x2048xf32, #tpu.memory_space<vmem>>, vector<16xf32>,
        %broadcast_in_dim3A_489 = arith.constant 0 : i32
        %broadcast_in_dim3A_490 = vector.broadcast %broadcast_in_dim3A_489 : i32 to vector<16xi32>
        %get3A_491 = arith.constant 1 : i32
        %get3A_492 = arith.index_cast %get3A_491 : i32 to index
        %get3A_493 = arith.index_cast %mul3A_484 : i32 to index
        %get3A_494 = tpu.vector_load %arg5[%get3A_492, %get3A_493] {strides = array<i32>} : memref<19x2048xf32, #tpu.memory_space<vmem>>, vector<16xf32>,
        %gt3A_495 = arith.cmpf ogt, %get3A_494, %get3A_488 : vector<16xf32>
        %select_n3A_496 = arith.select %gt3A_495, %get3A_494, %get3A_488 : vector<16xi1>, vector<16xf32>
        %broadcast_in_dim3A_497 = arith.constant 1 : i32
        %broadcast_in_dim3A_498 = vector.broadcast %broadcast_in_dim3A_497 : i32 to vector<16xi32>
        %select_n3A_499 = arith.select %gt3A_495, %broadcast_in_dim3A_498, %broadcast_in_dim3A_490 : vector<16xi1>, vector<16xi32>
        %get3A_500 = arith.constant 2 : i32
        %get3A_501 = arith.index_cast %get3A_500 : i32 to index
        %get3A_502 = arith.index_cast %mul3A_484 : i32 to index
        %get3A_503 = tpu.vector_load %arg5[%get3A_501, %get3A_502] {strides = array<i32>} : memref<19x2048xf32, #tpu.memory_space<vmem>>, vector<16xf32>,
        %gt3A_504 = arith.cmpf ogt, %get3A_503, %select_n3A_496 : vector<16xf32>
        %select_n3A_505 = arith.select %gt3A_504, %get3A_503, %select_n3A_496 : vector<16xi1>, vector<16xf32>
        %broadcast_in_dim3A_506 = arith.constant 2 : i32
        %broadcast_in_dim3A_507 = vector.broadcast %broadcast_in_dim3A_506 : i32 to vector<16xi32>
        %select_n3A_508 = arith.select %gt3A_504, %broadcast_in_dim3A_507, %select_n3A_499 : vector<16xi1>, vector<16xi32>
        %get3A_509 = arith.constant 3 : i32
        %get3A_510 = arith.index_cast %get3A_509 : i32 to index
        %get3A_511 = arith.index_cast %mul3A_484 : i32 to index
        %get3A_512 = tpu.vector_load %arg5[%get3A_510, %get3A_511] {strides = array<i32>} : memref<19x2048xf32, #tpu.memory_space<vmem>>, vector<16xf32>,
        %gt3A_513 = arith.cmpf ogt, %get3A_512, %select_n3A_505 : vector<16xf32>
        %select_n3A_514 = arith.select %gt3A_513, %get3A_512, %select_n3A_505 : vector<16xi1>, vector<16xf32>
        %broadcast_in_dim3A_515 = arith.constant 3 : i32
        %broadcast_in_dim3A_516 = vector.broadcast %broadcast_in_dim3A_515 : i32 to vector<16xi32>
        %select_n3A_517 = arith.select %gt3A_513, %broadcast_in_dim3A_516, %select_n3A_508 : vector<16xi1>, vector<16xi32>
        %get3A_518 = arith.constant 4 : i32
        %get3A_519 = arith.index_cast %get3A_518 : i32 to index
        %get3A_520 = arith.index_cast %mul3A_484 : i32 to index
        %get3A_521 = tpu.vector_load %arg5[%get3A_519, %get3A_520] {strides = array<i32>} : memref<19x2048xf32, #tpu.memory_space<vmem>>, vector<16xf32>,
        %gt3A_522 = arith.cmpf ogt, %get3A_521, %select_n3A_514 : vector<16xf32>
        %select_n3A_523 = arith.select %gt3A_522, %get3A_521, %select_n3A_514 : vector<16xi1>, vector<16xf32>
        %broadcast_in_dim3A_524 = arith.constant 4 : i32
        %broadcast_in_dim3A_525 = vector.broadcast %broadcast_in_dim3A_524 : i32 to vector<16xi32>
        %select_n3A_526 = arith.select %gt3A_522, %broadcast_in_dim3A_525, %select_n3A_517 : vector<16xi1>, vector<16xi32>
        %get3A_527 = arith.constant 5 : i32
        %get3A_528 = arith.index_cast %get3A_527 : i32 to index
        %get3A_529 = arith.index_cast %mul3A_484 : i32 to index
        %get3A_530 = tpu.vector_load %arg5[%get3A_528, %get3A_529] {strides = array<i32>} : memref<19x2048xf32, #tpu.memory_space<vmem>>, vector<16xf32>,
        %gt3A_531 = arith.cmpf ogt, %get3A_530, %select_n3A_523 : vector<16xf32>
        %select_n3A_532 = arith.select %gt3A_531, %get3A_530, %select_n3A_523 : vector<16xi1>, vector<16xf32>
        %broadcast_in_dim3A_533 = arith.constant 5 : i32
        %broadcast_in_dim3A_534 = vector.broadcast %broadcast_in_dim3A_533 : i32 to vector<16xi32>
        %select_n3A_535 = arith.select %gt3A_531, %broadcast_in_dim3A_534, %select_n3A_526 : vector<16xi1>, vector<16xi32>
        %get3A_536 = arith.constant 6 : i32
        %get3A_537 = arith.index_cast %get3A_536 : i32 to index
        %get3A_538 = arith.index_cast %mul3A_484 : i32 to index
        %get3A_539 = tpu.vector_load %arg5[%get3A_537, %get3A_538] {strides = array<i32>} : memref<19x2048xf32, #tpu.memory_space<vmem>>, vector<16xf32>,
        %gt3A_540 = arith.cmpf ogt, %get3A_539, %select_n3A_532 : vector<16xf32>
        %select_n3A_541 = arith.select %gt3A_540, %get3A_539, %select_n3A_532 : vector<16xi1>, vector<16xf32>
        %broadcast_in_dim3A_542 = arith.constant 6 : i32
        %broadcast_in_dim3A_543 = vector.broadcast %broadcast_in_dim3A_542 : i32 to vector<16xi32>
        %select_n3A_544 = arith.select %gt3A_540, %broadcast_in_dim3A_543, %select_n3A_535 : vector<16xi1>, vector<16xi32>
        %get3A_545 = arith.constant 7 : i32
        %get3A_546 = arith.index_cast %get3A_545 : i32 to index
        %get3A_547 = arith.index_cast %mul3A_484 : i32 to index
        %get3A_548 = tpu.vector_load %arg5[%get3A_546, %get3A_547] {strides = array<i32>} : memref<19x2048xf32, #tpu.memory_space<vmem>>, vector<16xf32>,
        %gt3A_549 = arith.cmpf ogt, %get3A_548, %select_n3A_541 : vector<16xf32>
        %select_n3A_550 = arith.select %gt3A_549, %get3A_548, %select_n3A_541 : vector<16xi1>, vector<16xf32>
        %broadcast_in_dim3A_551 = arith.constant 7 : i32
        %broadcast_in_dim3A_552 = vector.broadcast %broadcast_in_dim3A_551 : i32 to vector<16xi32>
        %select_n3A_553 = arith.select %gt3A_549, %broadcast_in_dim3A_552, %select_n3A_544 : vector<16xi1>, vector<16xi32>
        %get3A_554 = arith.constant 8 : i32
        %get3A_555 = arith.index_cast %get3A_554 : i32 to index
        %get3A_556 = arith.index_cast %mul3A_484 : i32 to index
        %get3A_557 = tpu.vector_load %arg5[%get3A_555, %get3A_556] {strides = array<i32>} : memref<19x2048xf32, #tpu.memory_space<vmem>>, vector<16xf32>,
        %gt3A_558 = arith.cmpf ogt, %get3A_557, %select_n3A_550 : vector<16xf32>
        %select_n3A_559 = arith.select %gt3A_558, %get3A_557, %select_n3A_550 : vector<16xi1>, vector<16xf32>
        %broadcast_in_dim3A_560 = arith.constant 8 : i32
        %broadcast_in_dim3A_561 = vector.broadcast %broadcast_in_dim3A_560 : i32 to vector<16xi32>
        %select_n3A_562 = arith.select %gt3A_558, %broadcast_in_dim3A_561, %select_n3A_553 : vector<16xi1>, vector<16xi32>
        %get3A_563 = arith.constant 9 : i32
        %get3A_564 = arith.index_cast %get3A_563 : i32 to index
        %get3A_565 = arith.index_cast %mul3A_484 : i32 to index
        %get3A_566 = tpu.vector_load %arg5[%get3A_564, %get3A_565] {strides = array<i32>} : memref<19x2048xf32, #tpu.memory_space<vmem>>, vector<16xf32>,
        %gt3A_567 = arith.cmpf ogt, %get3A_566, %select_n3A_559 : vector<16xf32>
        %select_n3A_568 = arith.select %gt3A_567, %get3A_566, %select_n3A_559 : vector<16xi1>, vector<16xf32>
        %broadcast_in_dim3A_569 = arith.constant 9 : i32
        %broadcast_in_dim3A_570 = vector.broadcast %broadcast_in_dim3A_569 : i32 to vector<16xi32>
        %select_n3A_571 = arith.select %gt3A_567, %broadcast_in_dim3A_570, %select_n3A_562 : vector<16xi1>, vector<16xi32>
        %get3A_572 = arith.constant 10 : i32
        %get3A_573 = arith.index_cast %get3A_572 : i32 to index
        %get3A_574 = arith.index_cast %mul3A_484 : i32 to index
        %get3A_575 = tpu.vector_load %arg5[%get3A_573, %get3A_574] {strides = array<i32>} : memref<19x2048xf32, #tpu.memory_space<vmem>>, vector<16xf32>,
        %gt3A_576 = arith.cmpf ogt, %get3A_575, %select_n3A_568 : vector<16xf32>
        %select_n3A_577 = arith.select %gt3A_576, %get3A_575, %select_n3A_568 : vector<16xi1>, vector<16xf32>
        %broadcast_in_dim3A_578 = arith.constant 10 : i32
        %broadcast_in_dim3A_579 = vector.broadcast %broadcast_in_dim3A_578 : i32 to vector<16xi32>
        %select_n3A_580 = arith.select %gt3A_576, %broadcast_in_dim3A_579, %select_n3A_571 : vector<16xi1>, vector<16xi32>
        %get3A_581 = arith.constant 11 : i32
        %get3A_582 = arith.index_cast %get3A_581 : i32 to index
        %get3A_583 = arith.index_cast %mul3A_484 : i32 to index
        %get3A_584 = tpu.vector_load %arg5[%get3A_582, %get3A_583] {strides = array<i32>} : memref<19x2048xf32, #tpu.memory_space<vmem>>, vector<16xf32>,
        %gt3A_585 = arith.cmpf ogt, %get3A_584, %select_n3A_577 : vector<16xf32>
        %select_n3A_586 = arith.select %gt3A_585, %get3A_584, %select_n3A_577 : vector<16xi1>, vector<16xf32>
        %broadcast_in_dim3A_587 = arith.constant 11 : i32
        %broadcast_in_dim3A_588 = vector.broadcast %broadcast_in_dim3A_587 : i32 to vector<16xi32>
        %select_n3A_589 = arith.select %gt3A_585, %broadcast_in_dim3A_588, %select_n3A_580 : vector<16xi1>, vector<16xi32>
        %get3A_590 = arith.constant 12 : i32
        %get3A_591 = arith.index_cast %get3A_590 : i32 to index
        %get3A_592 = arith.index_cast %mul3A_484 : i32 to index
        %get3A_593 = tpu.vector_load %arg5[%get3A_591, %get3A_592] {strides = array<i32>} : memref<19x2048xf32, #tpu.memory_space<vmem>>, vector<16xf32>,
        %gt3A_594 = arith.cmpf ogt, %get3A_593, %select_n3A_586 : vector<16xf32>
        %select_n3A_595 = arith.select %gt3A_594, %get3A_593, %select_n3A_586 : vector<16xi1>, vector<16xf32>
        %broadcast_in_dim3A_596 = arith.constant 12 : i32
        %broadcast_in_dim3A_597 = vector.broadcast %broadcast_in_dim3A_596 : i32 to vector<16xi32>
        %select_n3A_598 = arith.select %gt3A_594, %broadcast_in_dim3A_597, %select_n3A_589 : vector<16xi1>, vector<16xi32>
        %get3A_599 = arith.constant 13 : i32
        %get3A_600 = arith.index_cast %get3A_599 : i32 to index
        %get3A_601 = arith.index_cast %mul3A_484 : i32 to index
        %get3A_602 = tpu.vector_load %arg5[%get3A_600, %get3A_601] {strides = array<i32>} : memref<19x2048xf32, #tpu.memory_space<vmem>>, vector<16xf32>,
        %gt3A_603 = arith.cmpf ogt, %get3A_602, %select_n3A_595 : vector<16xf32>
        %select_n3A_604 = arith.select %gt3A_603, %get3A_602, %select_n3A_595 : vector<16xi1>, vector<16xf32>
        %broadcast_in_dim3A_605 = arith.constant 13 : i32
        %broadcast_in_dim3A_606 = vector.broadcast %broadcast_in_dim3A_605 : i32 to vector<16xi32>
        %select_n3A_607 = arith.select %gt3A_603, %broadcast_in_dim3A_606, %select_n3A_598 : vector<16xi1>, vector<16xi32>
        %get3A_608 = arith.constant 14 : i32
        %get3A_609 = arith.index_cast %get3A_608 : i32 to index
        %get3A_610 = arith.index_cast %mul3A_484 : i32 to index
        %get3A_611 = tpu.vector_load %arg5[%get3A_609, %get3A_610] {strides = array<i32>} : memref<19x2048xf32, #tpu.memory_space<vmem>>, vector<16xf32>,
        %gt3A_612 = arith.cmpf ogt, %get3A_611, %select_n3A_604 : vector<16xf32>
        %select_n3A_613 = arith.select %gt3A_612, %get3A_611, %select_n3A_604 : vector<16xi1>, vector<16xf32>
        %broadcast_in_dim3A_614 = arith.constant 14 : i32
        %broadcast_in_dim3A_615 = vector.broadcast %broadcast_in_dim3A_614 : i32 to vector<16xi32>
        %select_n3A_616 = arith.select %gt3A_612, %broadcast_in_dim3A_615, %select_n3A_607 : vector<16xi1>, vector<16xi32>
        %get3A_617 = arith.constant 15 : i32
        %get3A_618 = arith.index_cast %get3A_617 : i32 to index
        %get3A_619 = arith.index_cast %mul3A_484 : i32 to index
        %get3A_620 = tpu.vector_load %arg5[%get3A_618, %get3A_619] {strides = array<i32>} : memref<19x2048xf32, #tpu.memory_space<vmem>>, vector<16xf32>,
        %gt3A_621 = arith.cmpf ogt, %get3A_620, %select_n3A_613 : vector<16xf32>
        %select_n3A_622 = arith.select %gt3A_621, %get3A_620, %select_n3A_613 : vector<16xi1>, vector<16xf32>
        %broadcast_in_dim3A_623 = arith.constant 15 : i32
        %broadcast_in_dim3A_624 = vector.broadcast %broadcast_in_dim3A_623 : i32 to vector<16xi32>
        %select_n3A_625 = arith.select %gt3A_621, %broadcast_in_dim3A_624, %select_n3A_616 : vector<16xi1>, vector<16xi32>
        %get3A_626 = arith.constant 16 : i32
        %get3A_627 = arith.index_cast %get3A_626 : i32 to index
        %get3A_628 = arith.index_cast %mul3A_484 : i32 to index
        %get3A_629 = tpu.vector_load %arg5[%get3A_627, %get3A_628] {strides = array<i32>} : memref<19x2048xf32, #tpu.memory_space<vmem>>, vector<16xf32>,
        %gt3A_630 = arith.cmpf ogt, %get3A_629, %select_n3A_622 : vector<16xf32>
        %select_n3A_631 = arith.select %gt3A_630, %get3A_629, %select_n3A_622 : vector<16xi1>, vector<16xf32>
        %broadcast_in_dim3A_632 = arith.constant 16 : i32
        %broadcast_in_dim3A_633 = vector.broadcast %broadcast_in_dim3A_632 : i32 to vector<16xi32>
        %select_n3A_634 = arith.select %gt3A_630, %broadcast_in_dim3A_633, %select_n3A_625 : vector<16xi1>, vector<16xi32>
        %get3A_635 = arith.constant 17 : i32
        %get3A_636 = arith.index_cast %get3A_635 : i32 to index
        %get3A_637 = arith.index_cast %mul3A_484 : i32 to index
        %get3A_638 = tpu.vector_load %arg5[%get3A_636, %get3A_637] {strides = array<i32>} : memref<19x2048xf32, #tpu.memory_space<vmem>>, vector<16xf32>,
        %gt3A_639 = arith.cmpf ogt, %get3A_638, %select_n3A_631 : vector<16xf32>
        %select_n3A_640 = arith.select %gt3A_639, %get3A_638, %select_n3A_631 : vector<16xi1>, vector<16xf32>
        %broadcast_in_dim3A_641 = arith.constant 17 : i32
        %broadcast_in_dim3A_642 = vector.broadcast %broadcast_in_dim3A_641 : i32 to vector<16xi32>
        %select_n3A_643 = arith.select %gt3A_639, %broadcast_in_dim3A_642, %select_n3A_634 : vector<16xi1>, vector<16xi32>
        %get3A_644 = arith.constant 18 : i32
        %get3A_645 = arith.index_cast %get3A_644 : i32 to index
        %get3A_646 = arith.index_cast %mul3A_484 : i32 to index
        %get3A_647 = tpu.vector_load %arg5[%get3A_645, %get3A_646] {strides = array<i32>} : memref<19x2048xf32, #tpu.memory_space<vmem>>, vector<16xf32>,
        %gt3A_648 = arith.cmpf ogt, %get3A_647, %select_n3A_640 : vector<16xf32>
        %select_n3A_649 = arith.select %gt3A_648, %get3A_647, %select_n3A_640 : vector<16xi1>, vector<16xf32>
        %broadcast_in_dim3A_650 = arith.constant 18 : i32
        %broadcast_in_dim3A_651 = vector.broadcast %broadcast_in_dim3A_650 : i32 to vector<16xi32>
        %select_n3A_652 = arith.select %gt3A_648, %broadcast_in_dim3A_651, %select_n3A_643 : vector<16xi1>, vector<16xi32>
        %get3A_653 = arith.index_cast %mul3A_484 : i32 to index
        %get3A_654 = tpu.vector_load %arg6[%get3A_653] {strides = array<i32>} : memref<2048xi32, #tpu.memory_space<vmem>>, vector<16xi32>,
        %mul3A_655 = arith.constant 32 : i32
        %mul3A_656 = vector.broadcast %mul3A_655 : i32 to vector<16xi32>
        %mul3A_657 = arith.muli %get3A_654, %mul3A_656 : vector<16xi32>
        %add3A_658 = arith.addi %mul3A_45, %mul3A_657 : vector<16xi32>
        %add3A_659 = arith.addi %add3A_658, %select_n3A_652 : vector<16xi32>
        tpu.vector_store_idx %arg9[%add3A_659], %broadcast_in_dim3A_50 {add = true} : memref<16384xf32, #tpu.memory_space<vmem>>[vector<16xi32>], vector<16xf32>,
        %add3A_660 = arith.addi %add3A_48, %get3A_654 : vector<16xi32>
        tpu.vector_store_idx %arg9[%add3A_660], %broadcast_in_dim3A_50 {add = true} : memref<16384xf32, #tpu.memory_space<vmem>>[vector<16xi32>], vector<16xf32>,
        %mul3A_661 = arith.constant 4 : i32
        %mul3A_662 = arith.muli %scan3A_116, %mul3A_661 : i32
        %add3A_663 = arith.constant 3 : i32
        %add3A_664 = arith.addi %mul3A_662, %add3A_663 : i32
        %mul3A_665 = arith.constant 16 : i32
        %mul3A_666 = arith.muli %add3A_664, %mul3A_665 : i32
        %get3A_667 = arith.constant 0 : i32
        %get3A_668 = arith.index_cast %get3A_667 : i32 to index
        %get3A_669 = arith.index_cast %mul3A_666 : i32 to index
        %get3A_670 = tpu.vector_load %arg5[%get3A_668, %get3A_669] {strides = array<i32>} : memref<19x2048xf32, #tpu.memory_space<vmem>>, vector<16xf32>,
        %broadcast_in_dim3A_671 = arith.constant 0 : i32
        %broadcast_in_dim3A_672 = vector.broadcast %broadcast_in_dim3A_671 : i32 to vector<16xi32>
        %get3A_673 = arith.constant 1 : i32
        %get3A_674 = arith.index_cast %get3A_673 : i32 to index
        %get3A_675 = arith.index_cast %mul3A_666 : i32 to index
        %get3A_676 = tpu.vector_load %arg5[%get3A_674, %get3A_675] {strides = array<i32>} : memref<19x2048xf32, #tpu.memory_space<vmem>>, vector<16xf32>,
        %gt3A_677 = arith.cmpf ogt, %get3A_676, %get3A_670 : vector<16xf32>
        %select_n3A_678 = arith.select %gt3A_677, %get3A_676, %get3A_670 : vector<16xi1>, vector<16xf32>
        %broadcast_in_dim3A_679 = arith.constant 1 : i32
        %broadcast_in_dim3A_680 = vector.broadcast %broadcast_in_dim3A_679 : i32 to vector<16xi32>
        %select_n3A_681 = arith.select %gt3A_677, %broadcast_in_dim3A_680, %broadcast_in_dim3A_672 : vector<16xi1>, vector<16xi32>
        %get3A_682 = arith.constant 2 : i32
        %get3A_683 = arith.index_cast %get3A_682 : i32 to index
        %get3A_684 = arith.index_cast %mul3A_666 : i32 to index
        %get3A_685 = tpu.vector_load %arg5[%get3A_683, %get3A_684] {strides = array<i32>} : memref<19x2048xf32, #tpu.memory_space<vmem>>, vector<16xf32>,
        %gt3A_686 = arith.cmpf ogt, %get3A_685, %select_n3A_678 : vector<16xf32>
        %select_n3A_687 = arith.select %gt3A_686, %get3A_685, %select_n3A_678 : vector<16xi1>, vector<16xf32>
        %broadcast_in_dim3A_688 = arith.constant 2 : i32
        %broadcast_in_dim3A_689 = vector.broadcast %broadcast_in_dim3A_688 : i32 to vector<16xi32>
        %select_n3A_690 = arith.select %gt3A_686, %broadcast_in_dim3A_689, %select_n3A_681 : vector<16xi1>, vector<16xi32>
        %get3A_691 = arith.constant 3 : i32
        %get3A_692 = arith.index_cast %get3A_691 : i32 to index
        %get3A_693 = arith.index_cast %mul3A_666 : i32 to index
        %get3A_694 = tpu.vector_load %arg5[%get3A_692, %get3A_693] {strides = array<i32>} : memref<19x2048xf32, #tpu.memory_space<vmem>>, vector<16xf32>,
        %gt3A_695 = arith.cmpf ogt, %get3A_694, %select_n3A_687 : vector<16xf32>
        %select_n3A_696 = arith.select %gt3A_695, %get3A_694, %select_n3A_687 : vector<16xi1>, vector<16xf32>
        %broadcast_in_dim3A_697 = arith.constant 3 : i32
        %broadcast_in_dim3A_698 = vector.broadcast %broadcast_in_dim3A_697 : i32 to vector<16xi32>
        %select_n3A_699 = arith.select %gt3A_695, %broadcast_in_dim3A_698, %select_n3A_690 : vector<16xi1>, vector<16xi32>
        %get3A_700 = arith.constant 4 : i32
        %get3A_701 = arith.index_cast %get3A_700 : i32 to index
        %get3A_702 = arith.index_cast %mul3A_666 : i32 to index
        %get3A_703 = tpu.vector_load %arg5[%get3A_701, %get3A_702] {strides = array<i32>} : memref<19x2048xf32, #tpu.memory_space<vmem>>, vector<16xf32>,
        %gt3A_704 = arith.cmpf ogt, %get3A_703, %select_n3A_696 : vector<16xf32>
        %select_n3A_705 = arith.select %gt3A_704, %get3A_703, %select_n3A_696 : vector<16xi1>, vector<16xf32>
        %broadcast_in_dim3A_706 = arith.constant 4 : i32
        %broadcast_in_dim3A_707 = vector.broadcast %broadcast_in_dim3A_706 : i32 to vector<16xi32>
        %select_n3A_708 = arith.select %gt3A_704, %broadcast_in_dim3A_707, %select_n3A_699 : vector<16xi1>, vector<16xi32>
        %get3A_709 = arith.constant 5 : i32
        %get3A_710 = arith.index_cast %get3A_709 : i32 to index
        %get3A_711 = arith.index_cast %mul3A_666 : i32 to index
        %get3A_712 = tpu.vector_load %arg5[%get3A_710, %get3A_711] {strides = array<i32>} : memref<19x2048xf32, #tpu.memory_space<vmem>>, vector<16xf32>,
        %gt3A_713 = arith.cmpf ogt, %get3A_712, %select_n3A_705 : vector<16xf32>
        %select_n3A_714 = arith.select %gt3A_713, %get3A_712, %select_n3A_705 : vector<16xi1>, vector<16xf32>
        %broadcast_in_dim3A_715 = arith.constant 5 : i32
        %broadcast_in_dim3A_716 = vector.broadcast %broadcast_in_dim3A_715 : i32 to vector<16xi32>
        %select_n3A_717 = arith.select %gt3A_713, %broadcast_in_dim3A_716, %select_n3A_708 : vector<16xi1>, vector<16xi32>
        %get3A_718 = arith.constant 6 : i32
        %get3A_719 = arith.index_cast %get3A_718 : i32 to index
        %get3A_720 = arith.index_cast %mul3A_666 : i32 to index
        %get3A_721 = tpu.vector_load %arg5[%get3A_719, %get3A_720] {strides = array<i32>} : memref<19x2048xf32, #tpu.memory_space<vmem>>, vector<16xf32>,
        %gt3A_722 = arith.cmpf ogt, %get3A_721, %select_n3A_714 : vector<16xf32>
        %select_n3A_723 = arith.select %gt3A_722, %get3A_721, %select_n3A_714 : vector<16xi1>, vector<16xf32>
        %broadcast_in_dim3A_724 = arith.constant 6 : i32
        %broadcast_in_dim3A_725 = vector.broadcast %broadcast_in_dim3A_724 : i32 to vector<16xi32>
        %select_n3A_726 = arith.select %gt3A_722, %broadcast_in_dim3A_725, %select_n3A_717 : vector<16xi1>, vector<16xi32>
        %get3A_727 = arith.constant 7 : i32
        %get3A_728 = arith.index_cast %get3A_727 : i32 to index
        %get3A_729 = arith.index_cast %mul3A_666 : i32 to index
        %get3A_730 = tpu.vector_load %arg5[%get3A_728, %get3A_729] {strides = array<i32>} : memref<19x2048xf32, #tpu.memory_space<vmem>>, vector<16xf32>,
        %gt3A_731 = arith.cmpf ogt, %get3A_730, %select_n3A_723 : vector<16xf32>
        %select_n3A_732 = arith.select %gt3A_731, %get3A_730, %select_n3A_723 : vector<16xi1>, vector<16xf32>
        %broadcast_in_dim3A_733 = arith.constant 7 : i32
        %broadcast_in_dim3A_734 = vector.broadcast %broadcast_in_dim3A_733 : i32 to vector<16xi32>
        %select_n3A_735 = arith.select %gt3A_731, %broadcast_in_dim3A_734, %select_n3A_726 : vector<16xi1>, vector<16xi32>
        %get3A_736 = arith.constant 8 : i32
        %get3A_737 = arith.index_cast %get3A_736 : i32 to index
        %get3A_738 = arith.index_cast %mul3A_666 : i32 to index
        %get3A_739 = tpu.vector_load %arg5[%get3A_737, %get3A_738] {strides = array<i32>} : memref<19x2048xf32, #tpu.memory_space<vmem>>, vector<16xf32>,
        %gt3A_740 = arith.cmpf ogt, %get3A_739, %select_n3A_732 : vector<16xf32>
        %select_n3A_741 = arith.select %gt3A_740, %get3A_739, %select_n3A_732 : vector<16xi1>, vector<16xf32>
        %broadcast_in_dim3A_742 = arith.constant 8 : i32
        %broadcast_in_dim3A_743 = vector.broadcast %broadcast_in_dim3A_742 : i32 to vector<16xi32>
        %select_n3A_744 = arith.select %gt3A_740, %broadcast_in_dim3A_743, %select_n3A_735 : vector<16xi1>, vector<16xi32>
        %get3A_745 = arith.constant 9 : i32
        %get3A_746 = arith.index_cast %get3A_745 : i32 to index
        %get3A_747 = arith.index_cast %mul3A_666 : i32 to index
        %get3A_748 = tpu.vector_load %arg5[%get3A_746, %get3A_747] {strides = array<i32>} : memref<19x2048xf32, #tpu.memory_space<vmem>>, vector<16xf32>,
        %gt3A_749 = arith.cmpf ogt, %get3A_748, %select_n3A_741 : vector<16xf32>
        %select_n3A_750 = arith.select %gt3A_749, %get3A_748, %select_n3A_741 : vector<16xi1>, vector<16xf32>
        %broadcast_in_dim3A_751 = arith.constant 9 : i32
        %broadcast_in_dim3A_752 = vector.broadcast %broadcast_in_dim3A_751 : i32 to vector<16xi32>
        %select_n3A_753 = arith.select %gt3A_749, %broadcast_in_dim3A_752, %select_n3A_744 : vector<16xi1>, vector<16xi32>
        %get3A_754 = arith.constant 10 : i32
        %get3A_755 = arith.index_cast %get3A_754 : i32 to index
        %get3A_756 = arith.index_cast %mul3A_666 : i32 to index
        %get3A_757 = tpu.vector_load %arg5[%get3A_755, %get3A_756] {strides = array<i32>} : memref<19x2048xf32, #tpu.memory_space<vmem>>, vector<16xf32>,
        %gt3A_758 = arith.cmpf ogt, %get3A_757, %select_n3A_750 : vector<16xf32>
        %select_n3A_759 = arith.select %gt3A_758, %get3A_757, %select_n3A_750 : vector<16xi1>, vector<16xf32>
        %broadcast_in_dim3A_760 = arith.constant 10 : i32
        %broadcast_in_dim3A_761 = vector.broadcast %broadcast_in_dim3A_760 : i32 to vector<16xi32>
        %select_n3A_762 = arith.select %gt3A_758, %broadcast_in_dim3A_761, %select_n3A_753 : vector<16xi1>, vector<16xi32>
        %get3A_763 = arith.constant 11 : i32
        %get3A_764 = arith.index_cast %get3A_763 : i32 to index
        %get3A_765 = arith.index_cast %mul3A_666 : i32 to index
        %get3A_766 = tpu.vector_load %arg5[%get3A_764, %get3A_765] {strides = array<i32>} : memref<19x2048xf32, #tpu.memory_space<vmem>>, vector<16xf32>,
        %gt3A_767 = arith.cmpf ogt, %get3A_766, %select_n3A_759 : vector<16xf32>
        %select_n3A_768 = arith.select %gt3A_767, %get3A_766, %select_n3A_759 : vector<16xi1>, vector<16xf32>
        %broadcast_in_dim3A_769 = arith.constant 11 : i32
        %broadcast_in_dim3A_770 = vector.broadcast %broadcast_in_dim3A_769 : i32 to vector<16xi32>
        %select_n3A_771 = arith.select %gt3A_767, %broadcast_in_dim3A_770, %select_n3A_762 : vector<16xi1>, vector<16xi32>
        %get3A_772 = arith.constant 12 : i32
        %get3A_773 = arith.index_cast %get3A_772 : i32 to index
        %get3A_774 = arith.index_cast %mul3A_666 : i32 to index
        %get3A_775 = tpu.vector_load %arg5[%get3A_773, %get3A_774] {strides = array<i32>} : memref<19x2048xf32, #tpu.memory_space<vmem>>, vector<16xf32>,
        %gt3A_776 = arith.cmpf ogt, %get3A_775, %select_n3A_768 : vector<16xf32>
        %select_n3A_777 = arith.select %gt3A_776, %get3A_775, %select_n3A_768 : vector<16xi1>, vector<16xf32>
        %broadcast_in_dim3A_778 = arith.constant 12 : i32
        %broadcast_in_dim3A_779 = vector.broadcast %broadcast_in_dim3A_778 : i32 to vector<16xi32>
        %select_n3A_780 = arith.select %gt3A_776, %broadcast_in_dim3A_779, %select_n3A_771 : vector<16xi1>, vector<16xi32>
        %get3A_781 = arith.constant 13 : i32
        %get3A_782 = arith.index_cast %get3A_781 : i32 to index
        %get3A_783 = arith.index_cast %mul3A_666 : i32 to index
        %get3A_784 = tpu.vector_load %arg5[%get3A_782, %get3A_783] {strides = array<i32>} : memref<19x2048xf32, #tpu.memory_space<vmem>>, vector<16xf32>,
        %gt3A_785 = arith.cmpf ogt, %get3A_784, %select_n3A_777 : vector<16xf32>
        %select_n3A_786 = arith.select %gt3A_785, %get3A_784, %select_n3A_777 : vector<16xi1>, vector<16xf32>
        %broadcast_in_dim3A_787 = arith.constant 13 : i32
        %broadcast_in_dim3A_788 = vector.broadcast %broadcast_in_dim3A_787 : i32 to vector<16xi32>
        %select_n3A_789 = arith.select %gt3A_785, %broadcast_in_dim3A_788, %select_n3A_780 : vector<16xi1>, vector<16xi32>
        %get3A_790 = arith.constant 14 : i32
        %get3A_791 = arith.index_cast %get3A_790 : i32 to index
        %get3A_792 = arith.index_cast %mul3A_666 : i32 to index
        %get3A_793 = tpu.vector_load %arg5[%get3A_791, %get3A_792] {strides = array<i32>} : memref<19x2048xf32, #tpu.memory_space<vmem>>, vector<16xf32>,
        %gt3A_794 = arith.cmpf ogt, %get3A_793, %select_n3A_786 : vector<16xf32>
        %select_n3A_795 = arith.select %gt3A_794, %get3A_793, %select_n3A_786 : vector<16xi1>, vector<16xf32>
        %broadcast_in_dim3A_796 = arith.constant 14 : i32
        %broadcast_in_dim3A_797 = vector.broadcast %broadcast_in_dim3A_796 : i32 to vector<16xi32>
        %select_n3A_798 = arith.select %gt3A_794, %broadcast_in_dim3A_797, %select_n3A_789 : vector<16xi1>, vector<16xi32>
        %get3A_799 = arith.constant 15 : i32
        %get3A_800 = arith.index_cast %get3A_799 : i32 to index
        %get3A_801 = arith.index_cast %mul3A_666 : i32 to index
        %get3A_802 = tpu.vector_load %arg5[%get3A_800, %get3A_801] {strides = array<i32>} : memref<19x2048xf32, #tpu.memory_space<vmem>>, vector<16xf32>,
        %gt3A_803 = arith.cmpf ogt, %get3A_802, %select_n3A_795 : vector<16xf32>
        %select_n3A_804 = arith.select %gt3A_803, %get3A_802, %select_n3A_795 : vector<16xi1>, vector<16xf32>
        %broadcast_in_dim3A_805 = arith.constant 15 : i32
        %broadcast_in_dim3A_806 = vector.broadcast %broadcast_in_dim3A_805 : i32 to vector<16xi32>
        %select_n3A_807 = arith.select %gt3A_803, %broadcast_in_dim3A_806, %select_n3A_798 : vector<16xi1>, vector<16xi32>
        %get3A_808 = arith.constant 16 : i32
        %get3A_809 = arith.index_cast %get3A_808 : i32 to index
        %get3A_810 = arith.index_cast %mul3A_666 : i32 to index
        %get3A_811 = tpu.vector_load %arg5[%get3A_809, %get3A_810] {strides = array<i32>} : memref<19x2048xf32, #tpu.memory_space<vmem>>, vector<16xf32>,
        %gt3A_812 = arith.cmpf ogt, %get3A_811, %select_n3A_804 : vector<16xf32>
        %select_n3A_813 = arith.select %gt3A_812, %get3A_811, %select_n3A_804 : vector<16xi1>, vector<16xf32>
        %broadcast_in_dim3A_814 = arith.constant 16 : i32
        %broadcast_in_dim3A_815 = vector.broadcast %broadcast_in_dim3A_814 : i32 to vector<16xi32>
        %select_n3A_816 = arith.select %gt3A_812, %broadcast_in_dim3A_815, %select_n3A_807 : vector<16xi1>, vector<16xi32>
        %get3A_817 = arith.constant 17 : i32
        %get3A_818 = arith.index_cast %get3A_817 : i32 to index
        %get3A_819 = arith.index_cast %mul3A_666 : i32 to index
        %get3A_820 = tpu.vector_load %arg5[%get3A_818, %get3A_819] {strides = array<i32>} : memref<19x2048xf32, #tpu.memory_space<vmem>>, vector<16xf32>,
        %gt3A_821 = arith.cmpf ogt, %get3A_820, %select_n3A_813 : vector<16xf32>
        %select_n3A_822 = arith.select %gt3A_821, %get3A_820, %select_n3A_813 : vector<16xi1>, vector<16xf32>
        %broadcast_in_dim3A_823 = arith.constant 17 : i32
        %broadcast_in_dim3A_824 = vector.broadcast %broadcast_in_dim3A_823 : i32 to vector<16xi32>
        %select_n3A_825 = arith.select %gt3A_821, %broadcast_in_dim3A_824, %select_n3A_816 : vector<16xi1>, vector<16xi32>
        %get3A_826 = arith.constant 18 : i32
        %get3A_827 = arith.index_cast %get3A_826 : i32 to index
        %get3A_828 = arith.index_cast %mul3A_666 : i32 to index
        %get3A_829 = tpu.vector_load %arg5[%get3A_827, %get3A_828] {strides = array<i32>} : memref<19x2048xf32, #tpu.memory_space<vmem>>, vector<16xf32>,
        %gt3A_830 = arith.cmpf ogt, %get3A_829, %select_n3A_822 : vector<16xf32>
        %select_n3A_831 = arith.select %gt3A_830, %get3A_829, %select_n3A_822 : vector<16xi1>, vector<16xf32>
        %broadcast_in_dim3A_832 = arith.constant 18 : i32
        %broadcast_in_dim3A_833 = vector.broadcast %broadcast_in_dim3A_832 : i32 to vector<16xi32>
        %select_n3A_834 = arith.select %gt3A_830, %broadcast_in_dim3A_833, %select_n3A_825 : vector<16xi1>, vector<16xi32>
        %get3A_835 = arith.index_cast %mul3A_666 : i32 to index
        %get3A_836 = tpu.vector_load %arg6[%get3A_835] {strides = array<i32>} : memref<2048xi32, #tpu.memory_space<vmem>>, vector<16xi32>,
        %mul3A_837 = arith.constant 32 : i32
        %mul3A_838 = vector.broadcast %mul3A_837 : i32 to vector<16xi32>
        %mul3A_839 = arith.muli %get3A_836, %mul3A_838 : vector<16xi32>
        %add3A_840 = arith.addi %mul3A_45, %mul3A_839 : vector<16xi32>
        %add3A_841 = arith.addi %add3A_840, %select_n3A_834 : vector<16xi32>
        tpu.vector_store_idx %arg9[%add3A_841], %broadcast_in_dim3A_50 {add = true} : memref<16384xf32, #tpu.memory_space<vmem>>[vector<16xi32>], vector<16xf32>,
        %add3A_842 = arith.addi %add3A_48, %get3A_836 : vector<16xi32>
        tpu.vector_store_idx %arg9[%add3A_842], %broadcast_in_dim3A_50 {add = true} : memref<16384xf32, #tpu.memory_space<vmem>>[vector<16xi32>], vector<16xf32>,
      }
      %scan3A_87 = arith.constant 32 : i32
      %add3A_88 = arith.constant 2 : i32
      %add3A_89 = arith.addi %mul3A_74, %add3A_88 : i32
      %lt3A_90 = arith.constant 32 : i32
      %lt3A_91 = arith.cmpi slt, %add3A_89, %lt3A_90 : i32
      %convert_element_type3A = arith.extui %lt3A_91 : i1 to i32
      %cond3A = arith.constant 0 : i32
      %cond3A_92 = arith.cmpi ne, %convert_element_type3A, %cond3A : i32
      scf.if %cond3A_92 {
        %add3A_116 = arith.constant 2 : i32
        %add3A_117 = arith.addi %mul3A_74, %add3A_116 : i32
        %mul3A_118 = arith.constant 2048 : i32
        %mul3A_119 = arith.muli %add3A_117, %mul3A_118 : i32
        %add3A_120 = arith.addi %mul3A_36, %mul3A_119 : i32
        %dma_start3A_121 = tpu.memref_slice %arg2[%mul3A_32, %add3A_120] : memref<152x262144xf32, #tpu.memory_space<hbm>> -> memref<19x2048xf32, #tpu.memory_space<hbm>>
        %dma_start3A_122 = tpu.memref_slice %arg2[%mul3A_32, %add3A_120] : memref<152x262144xf32, #tpu.memory_space<hbm>> -> memref<19x2048xf32, #tpu.memory_space<hbm>>
        tpu.enqueue_dma source(%dma_start3A_122 : memref<19x2048xf32, #tpu.memory_space<hbm>>) target(%arg5 : memref<19x2048xf32, #tpu.memory_space<vmem>>) target_semaphore(%arg10 : memref<!tpu.dma_semaphore, #tpu.memory_space<semaphore_mem>>)
        %add3A_123 = arith.addi %mul3A_34, %add3A_120 : i32
        %dma_start3A_124 = tpu.memref_slice %arg3[%add3A_123] : memref<2097152xi32, #tpu.memory_space<hbm>> -> memref<2048xi32, #tpu.memory_space<hbm>>
        %dma_start3A_125 = tpu.memref_slice %arg3[%add3A_123] : memref<2097152xi32, #tpu.memory_space<hbm>> -> memref<2048xi32, #tpu.memory_space<hbm>>
        tpu.enqueue_dma source(%dma_start3A_125 : memref<2048xi32, #tpu.memory_space<hbm>>) target(%arg6 : memref<2048xi32, #tpu.memory_space<vmem>>) target_semaphore(%arg10 : memref<!tpu.dma_semaphore, #tpu.memory_space<semaphore_mem>>)
      } else {
      }
      %add3A_93 = arith.constant 1 : i32
      %add3A_94 = arith.addi %mul3A_74, %add3A_93 : i32
      %mul3A_95 = arith.constant 2048 : i32
      %mul3A_96 = arith.muli %add3A_94, %mul3A_95 : i32
      %add3A_97 = arith.addi %mul3A_36, %mul3A_96 : i32
      %dma_wait3A_98 = tpu.memref_slice %arg2[%mul3A_32, %add3A_97] : memref<152x262144xf32, #tpu.memory_space<hbm>> -> memref<19x2048xf32, #tpu.memory_space<hbm>>
      %dma_wait3A_99 = tpu.memref_slice %arg2[%mul3A_32, %add3A_97] : memref<152x262144xf32, #tpu.memory_space<hbm>> -> memref<19x2048xf32, #tpu.memory_space<hbm>>
      tpu.wait_dma2 semaphore(%arg11 : memref<!tpu.dma_semaphore, #tpu.memory_space<semaphore_mem>>) src(%dma_wait3A_99 : memref<19x2048xf32, #tpu.memory_space<hbm>>) dst(%arg7 : memref<19x2048xf32, #tpu.memory_space<vmem>>)
      %add3A_100 = arith.addi %mul3A_34, %add3A_97 : i32
      %dma_wait3A_101 = tpu.memref_slice %arg3[%add3A_100] : memref<2097152xi32, #tpu.memory_space<hbm>> -> memref<2048xi32, #tpu.memory_space<hbm>>
      %dma_wait3A_102 = tpu.memref_slice %arg3[%add3A_100] : memref<2097152xi32, #tpu.memory_space<hbm>> -> memref<2048xi32, #tpu.memory_space<hbm>>
      tpu.wait_dma2 semaphore(%arg11 : memref<!tpu.dma_semaphore, #tpu.memory_space<semaphore_mem>>) src(%dma_wait3A_102 : memref<2048xi32, #tpu.memory_space<hbm>>) dst(%arg8 : memref<2048xi32, #tpu.memory_space<vmem>>)
      %scan3A_103 = arith.constant 0 : i32
      %scan3A_104 = arith.constant 0 : i32
      %scan3A_105 = arith.constant 32 : i32
      %scan3A_106 = arith.addi %scan3A_104, %scan3A_105 : i32
      %scan3A_107 = arith.constant 1 : i32
      scf.for %scan3A_116 = %scan3A_104 to %scan3A_106 step %scan3A_107  : i32 {
        %mul3A_117 = arith.constant 4 : i32
        %mul3A_118 = arith.muli %scan3A_116, %mul3A_117 : i32
        %add3A_119 = arith.constant 0 : i32
        %add3A_120 = arith.addi %mul3A_118, %add3A_119 : i32
        %mul3A_121 = arith.constant 16 : i32
        %mul3A_122 = arith.muli %add3A_120, %mul3A_121 : i32
        %get3A = arith.constant 0 : i32
        %get3A_123 = arith.index_cast %get3A : i32 to index
        %get3A_124 = arith.index_cast %mul3A_122 : i32 to index
        %get3A_125 = tpu.vector_load %arg7[%get3A_123, %get3A_124] {strides = array<i32>} : memref<19x2048xf32, #tpu.memory_space<vmem>>, vector<16xf32>,
        %broadcast_in_dim3A_126 = arith.constant 0 : i32
        %broadcast_in_dim3A_127 = vector.broadcast %broadcast_in_dim3A_126 : i32 to vector<16xi32>
        %get3A_128 = arith.constant 1 : i32
        %get3A_129 = arith.index_cast %get3A_128 : i32 to index
        %get3A_130 = arith.index_cast %mul3A_122 : i32 to index
        %get3A_131 = tpu.vector_load %arg7[%get3A_129, %get3A_130] {strides = array<i32>} : memref<19x2048xf32, #tpu.memory_space<vmem>>, vector<16xf32>,
        %gt3A = arith.cmpf ogt, %get3A_131, %get3A_125 : vector<16xf32>
        %select_n3A_132 = arith.select %gt3A, %get3A_131, %get3A_125 : vector<16xi1>, vector<16xf32>
        %broadcast_in_dim3A_133 = arith.constant 1 : i32
        %broadcast_in_dim3A_134 = vector.broadcast %broadcast_in_dim3A_133 : i32 to vector<16xi32>
        %select_n3A_135 = arith.select %gt3A, %broadcast_in_dim3A_134, %broadcast_in_dim3A_127 : vector<16xi1>, vector<16xi32>
        %get3A_136 = arith.constant 2 : i32
        %get3A_137 = arith.index_cast %get3A_136 : i32 to index
        %get3A_138 = arith.index_cast %mul3A_122 : i32 to index
        %get3A_139 = tpu.vector_load %arg7[%get3A_137, %get3A_138] {strides = array<i32>} : memref<19x2048xf32, #tpu.memory_space<vmem>>, vector<16xf32>,
        %gt3A_140 = arith.cmpf ogt, %get3A_139, %select_n3A_132 : vector<16xf32>
        %select_n3A_141 = arith.select %gt3A_140, %get3A_139, %select_n3A_132 : vector<16xi1>, vector<16xf32>
        %broadcast_in_dim3A_142 = arith.constant 2 : i32
        %broadcast_in_dim3A_143 = vector.broadcast %broadcast_in_dim3A_142 : i32 to vector<16xi32>
        %select_n3A_144 = arith.select %gt3A_140, %broadcast_in_dim3A_143, %select_n3A_135 : vector<16xi1>, vector<16xi32>
        %get3A_145 = arith.constant 3 : i32
        %get3A_146 = arith.index_cast %get3A_145 : i32 to index
        %get3A_147 = arith.index_cast %mul3A_122 : i32 to index
        %get3A_148 = tpu.vector_load %arg7[%get3A_146, %get3A_147] {strides = array<i32>} : memref<19x2048xf32, #tpu.memory_space<vmem>>, vector<16xf32>,
        %gt3A_149 = arith.cmpf ogt, %get3A_148, %select_n3A_141 : vector<16xf32>
        %select_n3A_150 = arith.select %gt3A_149, %get3A_148, %select_n3A_141 : vector<16xi1>, vector<16xf32>
        %broadcast_in_dim3A_151 = arith.constant 3 : i32
        %broadcast_in_dim3A_152 = vector.broadcast %broadcast_in_dim3A_151 : i32 to vector<16xi32>
        %select_n3A_153 = arith.select %gt3A_149, %broadcast_in_dim3A_152, %select_n3A_144 : vector<16xi1>, vector<16xi32>
        %get3A_154 = arith.constant 4 : i32
        %get3A_155 = arith.index_cast %get3A_154 : i32 to index
        %get3A_156 = arith.index_cast %mul3A_122 : i32 to index
        %get3A_157 = tpu.vector_load %arg7[%get3A_155, %get3A_156] {strides = array<i32>} : memref<19x2048xf32, #tpu.memory_space<vmem>>, vector<16xf32>,
        %gt3A_158 = arith.cmpf ogt, %get3A_157, %select_n3A_150 : vector<16xf32>
        %select_n3A_159 = arith.select %gt3A_158, %get3A_157, %select_n3A_150 : vector<16xi1>, vector<16xf32>
        %broadcast_in_dim3A_160 = arith.constant 4 : i32
        %broadcast_in_dim3A_161 = vector.broadcast %broadcast_in_dim3A_160 : i32 to vector<16xi32>
        %select_n3A_162 = arith.select %gt3A_158, %broadcast_in_dim3A_161, %select_n3A_153 : vector<16xi1>, vector<16xi32>
        %get3A_163 = arith.constant 5 : i32
        %get3A_164 = arith.index_cast %get3A_163 : i32 to index
        %get3A_165 = arith.index_cast %mul3A_122 : i32 to index
        %get3A_166 = tpu.vector_load %arg7[%get3A_164, %get3A_165] {strides = array<i32>} : memref<19x2048xf32, #tpu.memory_space<vmem>>, vector<16xf32>,
        %gt3A_167 = arith.cmpf ogt, %get3A_166, %select_n3A_159 : vector<16xf32>
        %select_n3A_168 = arith.select %gt3A_167, %get3A_166, %select_n3A_159 : vector<16xi1>, vector<16xf32>
        %broadcast_in_dim3A_169 = arith.constant 5 : i32
        %broadcast_in_dim3A_170 = vector.broadcast %broadcast_in_dim3A_169 : i32 to vector<16xi32>
        %select_n3A_171 = arith.select %gt3A_167, %broadcast_in_dim3A_170, %select_n3A_162 : vector<16xi1>, vector<16xi32>
        %get3A_172 = arith.constant 6 : i32
        %get3A_173 = arith.index_cast %get3A_172 : i32 to index
        %get3A_174 = arith.index_cast %mul3A_122 : i32 to index
        %get3A_175 = tpu.vector_load %arg7[%get3A_173, %get3A_174] {strides = array<i32>} : memref<19x2048xf32, #tpu.memory_space<vmem>>, vector<16xf32>,
        %gt3A_176 = arith.cmpf ogt, %get3A_175, %select_n3A_168 : vector<16xf32>
        %select_n3A_177 = arith.select %gt3A_176, %get3A_175, %select_n3A_168 : vector<16xi1>, vector<16xf32>
        %broadcast_in_dim3A_178 = arith.constant 6 : i32
        %broadcast_in_dim3A_179 = vector.broadcast %broadcast_in_dim3A_178 : i32 to vector<16xi32>
        %select_n3A_180 = arith.select %gt3A_176, %broadcast_in_dim3A_179, %select_n3A_171 : vector<16xi1>, vector<16xi32>
        %get3A_181 = arith.constant 7 : i32
        %get3A_182 = arith.index_cast %get3A_181 : i32 to index
        %get3A_183 = arith.index_cast %mul3A_122 : i32 to index
        %get3A_184 = tpu.vector_load %arg7[%get3A_182, %get3A_183] {strides = array<i32>} : memref<19x2048xf32, #tpu.memory_space<vmem>>, vector<16xf32>,
        %gt3A_185 = arith.cmpf ogt, %get3A_184, %select_n3A_177 : vector<16xf32>
        %select_n3A_186 = arith.select %gt3A_185, %get3A_184, %select_n3A_177 : vector<16xi1>, vector<16xf32>
        %broadcast_in_dim3A_187 = arith.constant 7 : i32
        %broadcast_in_dim3A_188 = vector.broadcast %broadcast_in_dim3A_187 : i32 to vector<16xi32>
        %select_n3A_189 = arith.select %gt3A_185, %broadcast_in_dim3A_188, %select_n3A_180 : vector<16xi1>, vector<16xi32>
        %get3A_190 = arith.constant 8 : i32
        %get3A_191 = arith.index_cast %get3A_190 : i32 to index
        %get3A_192 = arith.index_cast %mul3A_122 : i32 to index
        %get3A_193 = tpu.vector_load %arg7[%get3A_191, %get3A_192] {strides = array<i32>} : memref<19x2048xf32, #tpu.memory_space<vmem>>, vector<16xf32>,
        %gt3A_194 = arith.cmpf ogt, %get3A_193, %select_n3A_186 : vector<16xf32>
        %select_n3A_195 = arith.select %gt3A_194, %get3A_193, %select_n3A_186 : vector<16xi1>, vector<16xf32>
        %broadcast_in_dim3A_196 = arith.constant 8 : i32
        %broadcast_in_dim3A_197 = vector.broadcast %broadcast_in_dim3A_196 : i32 to vector<16xi32>
        %select_n3A_198 = arith.select %gt3A_194, %broadcast_in_dim3A_197, %select_n3A_189 : vector<16xi1>, vector<16xi32>
        %get3A_199 = arith.constant 9 : i32
        %get3A_200 = arith.index_cast %get3A_199 : i32 to index
        %get3A_201 = arith.index_cast %mul3A_122 : i32 to index
        %get3A_202 = tpu.vector_load %arg7[%get3A_200, %get3A_201] {strides = array<i32>} : memref<19x2048xf32, #tpu.memory_space<vmem>>, vector<16xf32>,
        %gt3A_203 = arith.cmpf ogt, %get3A_202, %select_n3A_195 : vector<16xf32>
        %select_n3A_204 = arith.select %gt3A_203, %get3A_202, %select_n3A_195 : vector<16xi1>, vector<16xf32>
        %broadcast_in_dim3A_205 = arith.constant 9 : i32
        %broadcast_in_dim3A_206 = vector.broadcast %broadcast_in_dim3A_205 : i32 to vector<16xi32>
        %select_n3A_207 = arith.select %gt3A_203, %broadcast_in_dim3A_206, %select_n3A_198 : vector<16xi1>, vector<16xi32>
        %get3A_208 = arith.constant 10 : i32
        %get3A_209 = arith.index_cast %get3A_208 : i32 to index
        %get3A_210 = arith.index_cast %mul3A_122 : i32 to index
        %get3A_211 = tpu.vector_load %arg7[%get3A_209, %get3A_210] {strides = array<i32>} : memref<19x2048xf32, #tpu.memory_space<vmem>>, vector<16xf32>,
        %gt3A_212 = arith.cmpf ogt, %get3A_211, %select_n3A_204 : vector<16xf32>
        %select_n3A_213 = arith.select %gt3A_212, %get3A_211, %select_n3A_204 : vector<16xi1>, vector<16xf32>
        %broadcast_in_dim3A_214 = arith.constant 10 : i32
        %broadcast_in_dim3A_215 = vector.broadcast %broadcast_in_dim3A_214 : i32 to vector<16xi32>
        %select_n3A_216 = arith.select %gt3A_212, %broadcast_in_dim3A_215, %select_n3A_207 : vector<16xi1>, vector<16xi32>
        %get3A_217 = arith.constant 11 : i32
        %get3A_218 = arith.index_cast %get3A_217 : i32 to index
        %get3A_219 = arith.index_cast %mul3A_122 : i32 to index
        %get3A_220 = tpu.vector_load %arg7[%get3A_218, %get3A_219] {strides = array<i32>} : memref<19x2048xf32, #tpu.memory_space<vmem>>, vector<16xf32>,
        %gt3A_221 = arith.cmpf ogt, %get3A_220, %select_n3A_213 : vector<16xf32>
        %select_n3A_222 = arith.select %gt3A_221, %get3A_220, %select_n3A_213 : vector<16xi1>, vector<16xf32>
        %broadcast_in_dim3A_223 = arith.constant 11 : i32
        %broadcast_in_dim3A_224 = vector.broadcast %broadcast_in_dim3A_223 : i32 to vector<16xi32>
        %select_n3A_225 = arith.select %gt3A_221, %broadcast_in_dim3A_224, %select_n3A_216 : vector<16xi1>, vector<16xi32>
        %get3A_226 = arith.constant 12 : i32
        %get3A_227 = arith.index_cast %get3A_226 : i32 to index
        %get3A_228 = arith.index_cast %mul3A_122 : i32 to index
        %get3A_229 = tpu.vector_load %arg7[%get3A_227, %get3A_228] {strides = array<i32>} : memref<19x2048xf32, #tpu.memory_space<vmem>>, vector<16xf32>,
        %gt3A_230 = arith.cmpf ogt, %get3A_229, %select_n3A_222 : vector<16xf32>
        %select_n3A_231 = arith.select %gt3A_230, %get3A_229, %select_n3A_222 : vector<16xi1>, vector<16xf32>
        %broadcast_in_dim3A_232 = arith.constant 12 : i32
        %broadcast_in_dim3A_233 = vector.broadcast %broadcast_in_dim3A_232 : i32 to vector<16xi32>
        %select_n3A_234 = arith.select %gt3A_230, %broadcast_in_dim3A_233, %select_n3A_225 : vector<16xi1>, vector<16xi32>
        %get3A_235 = arith.constant 13 : i32
        %get3A_236 = arith.index_cast %get3A_235 : i32 to index
        %get3A_237 = arith.index_cast %mul3A_122 : i32 to index
        %get3A_238 = tpu.vector_load %arg7[%get3A_236, %get3A_237] {strides = array<i32>} : memref<19x2048xf32, #tpu.memory_space<vmem>>, vector<16xf32>,
        %gt3A_239 = arith.cmpf ogt, %get3A_238, %select_n3A_231 : vector<16xf32>
        %select_n3A_240 = arith.select %gt3A_239, %get3A_238, %select_n3A_231 : vector<16xi1>, vector<16xf32>
        %broadcast_in_dim3A_241 = arith.constant 13 : i32
        %broadcast_in_dim3A_242 = vector.broadcast %broadcast_in_dim3A_241 : i32 to vector<16xi32>
        %select_n3A_243 = arith.select %gt3A_239, %broadcast_in_dim3A_242, %select_n3A_234 : vector<16xi1>, vector<16xi32>
        %get3A_244 = arith.constant 14 : i32
        %get3A_245 = arith.index_cast %get3A_244 : i32 to index
        %get3A_246 = arith.index_cast %mul3A_122 : i32 to index
        %get3A_247 = tpu.vector_load %arg7[%get3A_245, %get3A_246] {strides = array<i32>} : memref<19x2048xf32, #tpu.memory_space<vmem>>, vector<16xf32>,
        %gt3A_248 = arith.cmpf ogt, %get3A_247, %select_n3A_240 : vector<16xf32>
        %select_n3A_249 = arith.select %gt3A_248, %get3A_247, %select_n3A_240 : vector<16xi1>, vector<16xf32>
        %broadcast_in_dim3A_250 = arith.constant 14 : i32
        %broadcast_in_dim3A_251 = vector.broadcast %broadcast_in_dim3A_250 : i32 to vector<16xi32>
        %select_n3A_252 = arith.select %gt3A_248, %broadcast_in_dim3A_251, %select_n3A_243 : vector<16xi1>, vector<16xi32>
        %get3A_253 = arith.constant 15 : i32
        %get3A_254 = arith.index_cast %get3A_253 : i32 to index
        %get3A_255 = arith.index_cast %mul3A_122 : i32 to index
        %get3A_256 = tpu.vector_load %arg7[%get3A_254, %get3A_255] {strides = array<i32>} : memref<19x2048xf32, #tpu.memory_space<vmem>>, vector<16xf32>,
        %gt3A_257 = arith.cmpf ogt, %get3A_256, %select_n3A_249 : vector<16xf32>
        %select_n3A_258 = arith.select %gt3A_257, %get3A_256, %select_n3A_249 : vector<16xi1>, vector<16xf32>
        %broadcast_in_dim3A_259 = arith.constant 15 : i32
        %broadcast_in_dim3A_260 = vector.broadcast %broadcast_in_dim3A_259 : i32 to vector<16xi32>
        %select_n3A_261 = arith.select %gt3A_257, %broadcast_in_dim3A_260, %select_n3A_252 : vector<16xi1>, vector<16xi32>
        %get3A_262 = arith.constant 16 : i32
        %get3A_263 = arith.index_cast %get3A_262 : i32 to index
        %get3A_264 = arith.index_cast %mul3A_122 : i32 to index
        %get3A_265 = tpu.vector_load %arg7[%get3A_263, %get3A_264] {strides = array<i32>} : memref<19x2048xf32, #tpu.memory_space<vmem>>, vector<16xf32>,
        %gt3A_266 = arith.cmpf ogt, %get3A_265, %select_n3A_258 : vector<16xf32>
        %select_n3A_267 = arith.select %gt3A_266, %get3A_265, %select_n3A_258 : vector<16xi1>, vector<16xf32>
        %broadcast_in_dim3A_268 = arith.constant 16 : i32
        %broadcast_in_dim3A_269 = vector.broadcast %broadcast_in_dim3A_268 : i32 to vector<16xi32>
        %select_n3A_270 = arith.select %gt3A_266, %broadcast_in_dim3A_269, %select_n3A_261 : vector<16xi1>, vector<16xi32>
        %get3A_271 = arith.constant 17 : i32
        %get3A_272 = arith.index_cast %get3A_271 : i32 to index
        %get3A_273 = arith.index_cast %mul3A_122 : i32 to index
        %get3A_274 = tpu.vector_load %arg7[%get3A_272, %get3A_273] {strides = array<i32>} : memref<19x2048xf32, #tpu.memory_space<vmem>>, vector<16xf32>,
        %gt3A_275 = arith.cmpf ogt, %get3A_274, %select_n3A_267 : vector<16xf32>
        %select_n3A_276 = arith.select %gt3A_275, %get3A_274, %select_n3A_267 : vector<16xi1>, vector<16xf32>
        %broadcast_in_dim3A_277 = arith.constant 17 : i32
        %broadcast_in_dim3A_278 = vector.broadcast %broadcast_in_dim3A_277 : i32 to vector<16xi32>
        %select_n3A_279 = arith.select %gt3A_275, %broadcast_in_dim3A_278, %select_n3A_270 : vector<16xi1>, vector<16xi32>
        %get3A_280 = arith.constant 18 : i32
        %get3A_281 = arith.index_cast %get3A_280 : i32 to index
        %get3A_282 = arith.index_cast %mul3A_122 : i32 to index
        %get3A_283 = tpu.vector_load %arg7[%get3A_281, %get3A_282] {strides = array<i32>} : memref<19x2048xf32, #tpu.memory_space<vmem>>, vector<16xf32>,
        %gt3A_284 = arith.cmpf ogt, %get3A_283, %select_n3A_276 : vector<16xf32>
        %select_n3A_285 = arith.select %gt3A_284, %get3A_283, %select_n3A_276 : vector<16xi1>, vector<16xf32>
        %broadcast_in_dim3A_286 = arith.constant 18 : i32
        %broadcast_in_dim3A_287 = vector.broadcast %broadcast_in_dim3A_286 : i32 to vector<16xi32>
        %select_n3A_288 = arith.select %gt3A_284, %broadcast_in_dim3A_287, %select_n3A_279 : vector<16xi1>, vector<16xi32>
        %get3A_289 = arith.index_cast %mul3A_122 : i32 to index
        %get3A_290 = tpu.vector_load %arg8[%get3A_289] {strides = array<i32>} : memref<2048xi32, #tpu.memory_space<vmem>>, vector<16xi32>,
        %mul3A_291 = arith.constant 32 : i32
        %mul3A_292 = vector.broadcast %mul3A_291 : i32 to vector<16xi32>
        %mul3A_293 = arith.muli %get3A_290, %mul3A_292 : vector<16xi32>
        %add3A_294 = arith.addi %mul3A_45, %mul3A_293 : vector<16xi32>
        %add3A_295 = arith.addi %add3A_294, %select_n3A_288 : vector<16xi32>
        tpu.vector_store_idx %arg9[%add3A_295], %broadcast_in_dim3A_50 {add = true} : memref<16384xf32, #tpu.memory_space<vmem>>[vector<16xi32>], vector<16xf32>,
        %add3A_296 = arith.addi %add3A_48, %get3A_290 : vector<16xi32>
        tpu.vector_store_idx %arg9[%add3A_296], %broadcast_in_dim3A_50 {add = true} : memref<16384xf32, #tpu.memory_space<vmem>>[vector<16xi32>], vector<16xf32>,
        %mul3A_297 = arith.constant 4 : i32
        %mul3A_298 = arith.muli %scan3A_116, %mul3A_297 : i32
        %add3A_299 = arith.constant 1 : i32
        %add3A_300 = arith.addi %mul3A_298, %add3A_299 : i32
        %mul3A_301 = arith.constant 16 : i32
        %mul3A_302 = arith.muli %add3A_300, %mul3A_301 : i32
        %get3A_303 = arith.constant 0 : i32
        %get3A_304 = arith.index_cast %get3A_303 : i32 to index
        %get3A_305 = arith.index_cast %mul3A_302 : i32 to index
        %get3A_306 = tpu.vector_load %arg7[%get3A_304, %get3A_305] {strides = array<i32>} : memref<19x2048xf32, #tpu.memory_space<vmem>>, vector<16xf32>,
        %broadcast_in_dim3A_307 = arith.constant 0 : i32
        %broadcast_in_dim3A_308 = vector.broadcast %broadcast_in_dim3A_307 : i32 to vector<16xi32>
        %get3A_309 = arith.constant 1 : i32
        %get3A_310 = arith.index_cast %get3A_309 : i32 to index
        %get3A_311 = arith.index_cast %mul3A_302 : i32 to index
        %get3A_312 = tpu.vector_load %arg7[%get3A_310, %get3A_311] {strides = array<i32>} : memref<19x2048xf32, #tpu.memory_space<vmem>>, vector<16xf32>,
        %gt3A_313 = arith.cmpf ogt, %get3A_312, %get3A_306 : vector<16xf32>
        %select_n3A_314 = arith.select %gt3A_313, %get3A_312, %get3A_306 : vector<16xi1>, vector<16xf32>
        %broadcast_in_dim3A_315 = arith.constant 1 : i32
        %broadcast_in_dim3A_316 = vector.broadcast %broadcast_in_dim3A_315 : i32 to vector<16xi32>
        %select_n3A_317 = arith.select %gt3A_313, %broadcast_in_dim3A_316, %broadcast_in_dim3A_308 : vector<16xi1>, vector<16xi32>
        %get3A_318 = arith.constant 2 : i32
        %get3A_319 = arith.index_cast %get3A_318 : i32 to index
        %get3A_320 = arith.index_cast %mul3A_302 : i32 to index
        %get3A_321 = tpu.vector_load %arg7[%get3A_319, %get3A_320] {strides = array<i32>} : memref<19x2048xf32, #tpu.memory_space<vmem>>, vector<16xf32>,
        %gt3A_322 = arith.cmpf ogt, %get3A_321, %select_n3A_314 : vector<16xf32>
        %select_n3A_323 = arith.select %gt3A_322, %get3A_321, %select_n3A_314 : vector<16xi1>, vector<16xf32>
        %broadcast_in_dim3A_324 = arith.constant 2 : i32
        %broadcast_in_dim3A_325 = vector.broadcast %broadcast_in_dim3A_324 : i32 to vector<16xi32>
        %select_n3A_326 = arith.select %gt3A_322, %broadcast_in_dim3A_325, %select_n3A_317 : vector<16xi1>, vector<16xi32>
        %get3A_327 = arith.constant 3 : i32
        %get3A_328 = arith.index_cast %get3A_327 : i32 to index
        %get3A_329 = arith.index_cast %mul3A_302 : i32 to index
        %get3A_330 = tpu.vector_load %arg7[%get3A_328, %get3A_329] {strides = array<i32>} : memref<19x2048xf32, #tpu.memory_space<vmem>>, vector<16xf32>,
        %gt3A_331 = arith.cmpf ogt, %get3A_330, %select_n3A_323 : vector<16xf32>
        %select_n3A_332 = arith.select %gt3A_331, %get3A_330, %select_n3A_323 : vector<16xi1>, vector<16xf32>
        %broadcast_in_dim3A_333 = arith.constant 3 : i32
        %broadcast_in_dim3A_334 = vector.broadcast %broadcast_in_dim3A_333 : i32 to vector<16xi32>
        %select_n3A_335 = arith.select %gt3A_331, %broadcast_in_dim3A_334, %select_n3A_326 : vector<16xi1>, vector<16xi32>
        %get3A_336 = arith.constant 4 : i32
        %get3A_337 = arith.index_cast %get3A_336 : i32 to index
        %get3A_338 = arith.index_cast %mul3A_302 : i32 to index
        %get3A_339 = tpu.vector_load %arg7[%get3A_337, %get3A_338] {strides = array<i32>} : memref<19x2048xf32, #tpu.memory_space<vmem>>, vector<16xf32>,
        %gt3A_340 = arith.cmpf ogt, %get3A_339, %select_n3A_332 : vector<16xf32>
        %select_n3A_341 = arith.select %gt3A_340, %get3A_339, %select_n3A_332 : vector<16xi1>, vector<16xf32>
        %broadcast_in_dim3A_342 = arith.constant 4 : i32
        %broadcast_in_dim3A_343 = vector.broadcast %broadcast_in_dim3A_342 : i32 to vector<16xi32>
        %select_n3A_344 = arith.select %gt3A_340, %broadcast_in_dim3A_343, %select_n3A_335 : vector<16xi1>, vector<16xi32>
        %get3A_345 = arith.constant 5 : i32
        %get3A_346 = arith.index_cast %get3A_345 : i32 to index
        %get3A_347 = arith.index_cast %mul3A_302 : i32 to index
        %get3A_348 = tpu.vector_load %arg7[%get3A_346, %get3A_347] {strides = array<i32>} : memref<19x2048xf32, #tpu.memory_space<vmem>>, vector<16xf32>,
        %gt3A_349 = arith.cmpf ogt, %get3A_348, %select_n3A_341 : vector<16xf32>
        %select_n3A_350 = arith.select %gt3A_349, %get3A_348, %select_n3A_341 : vector<16xi1>, vector<16xf32>
        %broadcast_in_dim3A_351 = arith.constant 5 : i32
        %broadcast_in_dim3A_352 = vector.broadcast %broadcast_in_dim3A_351 : i32 to vector<16xi32>
        %select_n3A_353 = arith.select %gt3A_349, %broadcast_in_dim3A_352, %select_n3A_344 : vector<16xi1>, vector<16xi32>
        %get3A_354 = arith.constant 6 : i32
        %get3A_355 = arith.index_cast %get3A_354 : i32 to index
        %get3A_356 = arith.index_cast %mul3A_302 : i32 to index
        %get3A_357 = tpu.vector_load %arg7[%get3A_355, %get3A_356] {strides = array<i32>} : memref<19x2048xf32, #tpu.memory_space<vmem>>, vector<16xf32>,
        %gt3A_358 = arith.cmpf ogt, %get3A_357, %select_n3A_350 : vector<16xf32>
        %select_n3A_359 = arith.select %gt3A_358, %get3A_357, %select_n3A_350 : vector<16xi1>, vector<16xf32>
        %broadcast_in_dim3A_360 = arith.constant 6 : i32
        %broadcast_in_dim3A_361 = vector.broadcast %broadcast_in_dim3A_360 : i32 to vector<16xi32>
        %select_n3A_362 = arith.select %gt3A_358, %broadcast_in_dim3A_361, %select_n3A_353 : vector<16xi1>, vector<16xi32>
        %get3A_363 = arith.constant 7 : i32
        %get3A_364 = arith.index_cast %get3A_363 : i32 to index
        %get3A_365 = arith.index_cast %mul3A_302 : i32 to index
        %get3A_366 = tpu.vector_load %arg7[%get3A_364, %get3A_365] {strides = array<i32>} : memref<19x2048xf32, #tpu.memory_space<vmem>>, vector<16xf32>,
        %gt3A_367 = arith.cmpf ogt, %get3A_366, %select_n3A_359 : vector<16xf32>
        %select_n3A_368 = arith.select %gt3A_367, %get3A_366, %select_n3A_359 : vector<16xi1>, vector<16xf32>
        %broadcast_in_dim3A_369 = arith.constant 7 : i32
        %broadcast_in_dim3A_370 = vector.broadcast %broadcast_in_dim3A_369 : i32 to vector<16xi32>
        %select_n3A_371 = arith.select %gt3A_367, %broadcast_in_dim3A_370, %select_n3A_362 : vector<16xi1>, vector<16xi32>
        %get3A_372 = arith.constant 8 : i32
        %get3A_373 = arith.index_cast %get3A_372 : i32 to index
        %get3A_374 = arith.index_cast %mul3A_302 : i32 to index
        %get3A_375 = tpu.vector_load %arg7[%get3A_373, %get3A_374] {strides = array<i32>} : memref<19x2048xf32, #tpu.memory_space<vmem>>, vector<16xf32>,
        %gt3A_376 = arith.cmpf ogt, %get3A_375, %select_n3A_368 : vector<16xf32>
        %select_n3A_377 = arith.select %gt3A_376, %get3A_375, %select_n3A_368 : vector<16xi1>, vector<16xf32>
        %broadcast_in_dim3A_378 = arith.constant 8 : i32
        %broadcast_in_dim3A_379 = vector.broadcast %broadcast_in_dim3A_378 : i32 to vector<16xi32>
        %select_n3A_380 = arith.select %gt3A_376, %broadcast_in_dim3A_379, %select_n3A_371 : vector<16xi1>, vector<16xi32>
        %get3A_381 = arith.constant 9 : i32
        %get3A_382 = arith.index_cast %get3A_381 : i32 to index
        %get3A_383 = arith.index_cast %mul3A_302 : i32 to index
        %get3A_384 = tpu.vector_load %arg7[%get3A_382, %get3A_383] {strides = array<i32>} : memref<19x2048xf32, #tpu.memory_space<vmem>>, vector<16xf32>,
        %gt3A_385 = arith.cmpf ogt, %get3A_384, %select_n3A_377 : vector<16xf32>
        %select_n3A_386 = arith.select %gt3A_385, %get3A_384, %select_n3A_377 : vector<16xi1>, vector<16xf32>
        %broadcast_in_dim3A_387 = arith.constant 9 : i32
        %broadcast_in_dim3A_388 = vector.broadcast %broadcast_in_dim3A_387 : i32 to vector<16xi32>
        %select_n3A_389 = arith.select %gt3A_385, %broadcast_in_dim3A_388, %select_n3A_380 : vector<16xi1>, vector<16xi32>
        %get3A_390 = arith.constant 10 : i32
        %get3A_391 = arith.index_cast %get3A_390 : i32 to index
        %get3A_392 = arith.index_cast %mul3A_302 : i32 to index
        %get3A_393 = tpu.vector_load %arg7[%get3A_391, %get3A_392] {strides = array<i32>} : memref<19x2048xf32, #tpu.memory_space<vmem>>, vector<16xf32>,
        %gt3A_394 = arith.cmpf ogt, %get3A_393, %select_n3A_386 : vector<16xf32>
        %select_n3A_395 = arith.select %gt3A_394, %get3A_393, %select_n3A_386 : vector<16xi1>, vector<16xf32>
        %broadcast_in_dim3A_396 = arith.constant 10 : i32
        %broadcast_in_dim3A_397 = vector.broadcast %broadcast_in_dim3A_396 : i32 to vector<16xi32>
        %select_n3A_398 = arith.select %gt3A_394, %broadcast_in_dim3A_397, %select_n3A_389 : vector<16xi1>, vector<16xi32>
        %get3A_399 = arith.constant 11 : i32
        %get3A_400 = arith.index_cast %get3A_399 : i32 to index
        %get3A_401 = arith.index_cast %mul3A_302 : i32 to index
        %get3A_402 = tpu.vector_load %arg7[%get3A_400, %get3A_401] {strides = array<i32>} : memref<19x2048xf32, #tpu.memory_space<vmem>>, vector<16xf32>,
        %gt3A_403 = arith.cmpf ogt, %get3A_402, %select_n3A_395 : vector<16xf32>
        %select_n3A_404 = arith.select %gt3A_403, %get3A_402, %select_n3A_395 : vector<16xi1>, vector<16xf32>
        %broadcast_in_dim3A_405 = arith.constant 11 : i32
        %broadcast_in_dim3A_406 = vector.broadcast %broadcast_in_dim3A_405 : i32 to vector<16xi32>
        %select_n3A_407 = arith.select %gt3A_403, %broadcast_in_dim3A_406, %select_n3A_398 : vector<16xi1>, vector<16xi32>
        %get3A_408 = arith.constant 12 : i32
        %get3A_409 = arith.index_cast %get3A_408 : i32 to index
        %get3A_410 = arith.index_cast %mul3A_302 : i32 to index
        %get3A_411 = tpu.vector_load %arg7[%get3A_409, %get3A_410] {strides = array<i32>} : memref<19x2048xf32, #tpu.memory_space<vmem>>, vector<16xf32>,
        %gt3A_412 = arith.cmpf ogt, %get3A_411, %select_n3A_404 : vector<16xf32>
        %select_n3A_413 = arith.select %gt3A_412, %get3A_411, %select_n3A_404 : vector<16xi1>, vector<16xf32>
        %broadcast_in_dim3A_414 = arith.constant 12 : i32
        %broadcast_in_dim3A_415 = vector.broadcast %broadcast_in_dim3A_414 : i32 to vector<16xi32>
        %select_n3A_416 = arith.select %gt3A_412, %broadcast_in_dim3A_415, %select_n3A_407 : vector<16xi1>, vector<16xi32>
        %get3A_417 = arith.constant 13 : i32
        %get3A_418 = arith.index_cast %get3A_417 : i32 to index
        %get3A_419 = arith.index_cast %mul3A_302 : i32 to index
        %get3A_420 = tpu.vector_load %arg7[%get3A_418, %get3A_419] {strides = array<i32>} : memref<19x2048xf32, #tpu.memory_space<vmem>>, vector<16xf32>,
        %gt3A_421 = arith.cmpf ogt, %get3A_420, %select_n3A_413 : vector<16xf32>
        %select_n3A_422 = arith.select %gt3A_421, %get3A_420, %select_n3A_413 : vector<16xi1>, vector<16xf32>
        %broadcast_in_dim3A_423 = arith.constant 13 : i32
        %broadcast_in_dim3A_424 = vector.broadcast %broadcast_in_dim3A_423 : i32 to vector<16xi32>
        %select_n3A_425 = arith.select %gt3A_421, %broadcast_in_dim3A_424, %select_n3A_416 : vector<16xi1>, vector<16xi32>
        %get3A_426 = arith.constant 14 : i32
        %get3A_427 = arith.index_cast %get3A_426 : i32 to index
        %get3A_428 = arith.index_cast %mul3A_302 : i32 to index
        %get3A_429 = tpu.vector_load %arg7[%get3A_427, %get3A_428] {strides = array<i32>} : memref<19x2048xf32, #tpu.memory_space<vmem>>, vector<16xf32>,
        %gt3A_430 = arith.cmpf ogt, %get3A_429, %select_n3A_422 : vector<16xf32>
        %select_n3A_431 = arith.select %gt3A_430, %get3A_429, %select_n3A_422 : vector<16xi1>, vector<16xf32>
        %broadcast_in_dim3A_432 = arith.constant 14 : i32
        %broadcast_in_dim3A_433 = vector.broadcast %broadcast_in_dim3A_432 : i32 to vector<16xi32>
        %select_n3A_434 = arith.select %gt3A_430, %broadcast_in_dim3A_433, %select_n3A_425 : vector<16xi1>, vector<16xi32>
        %get3A_435 = arith.constant 15 : i32
        %get3A_436 = arith.index_cast %get3A_435 : i32 to index
        %get3A_437 = arith.index_cast %mul3A_302 : i32 to index
        %get3A_438 = tpu.vector_load %arg7[%get3A_436, %get3A_437] {strides = array<i32>} : memref<19x2048xf32, #tpu.memory_space<vmem>>, vector<16xf32>,
        %gt3A_439 = arith.cmpf ogt, %get3A_438, %select_n3A_431 : vector<16xf32>
        %select_n3A_440 = arith.select %gt3A_439, %get3A_438, %select_n3A_431 : vector<16xi1>, vector<16xf32>
        %broadcast_in_dim3A_441 = arith.constant 15 : i32
        %broadcast_in_dim3A_442 = vector.broadcast %broadcast_in_dim3A_441 : i32 to vector<16xi32>
        %select_n3A_443 = arith.select %gt3A_439, %broadcast_in_dim3A_442, %select_n3A_434 : vector<16xi1>, vector<16xi32>
        %get3A_444 = arith.constant 16 : i32
        %get3A_445 = arith.index_cast %get3A_444 : i32 to index
        %get3A_446 = arith.index_cast %mul3A_302 : i32 to index
        %get3A_447 = tpu.vector_load %arg7[%get3A_445, %get3A_446] {strides = array<i32>} : memref<19x2048xf32, #tpu.memory_space<vmem>>, vector<16xf32>,
        %gt3A_448 = arith.cmpf ogt, %get3A_447, %select_n3A_440 : vector<16xf32>
        %select_n3A_449 = arith.select %gt3A_448, %get3A_447, %select_n3A_440 : vector<16xi1>, vector<16xf32>
        %broadcast_in_dim3A_450 = arith.constant 16 : i32
        %broadcast_in_dim3A_451 = vector.broadcast %broadcast_in_dim3A_450 : i32 to vector<16xi32>
        %select_n3A_452 = arith.select %gt3A_448, %broadcast_in_dim3A_451, %select_n3A_443 : vector<16xi1>, vector<16xi32>
        %get3A_453 = arith.constant 17 : i32
        %get3A_454 = arith.index_cast %get3A_453 : i32 to index
        %get3A_455 = arith.index_cast %mul3A_302 : i32 to index
        %get3A_456 = tpu.vector_load %arg7[%get3A_454, %get3A_455] {strides = array<i32>} : memref<19x2048xf32, #tpu.memory_space<vmem>>, vector<16xf32>,
        %gt3A_457 = arith.cmpf ogt, %get3A_456, %select_n3A_449 : vector<16xf32>
        %select_n3A_458 = arith.select %gt3A_457, %get3A_456, %select_n3A_449 : vector<16xi1>, vector<16xf32>
        %broadcast_in_dim3A_459 = arith.constant 17 : i32
        %broadcast_in_dim3A_460 = vector.broadcast %broadcast_in_dim3A_459 : i32 to vector<16xi32>
        %select_n3A_461 = arith.select %gt3A_457, %broadcast_in_dim3A_460, %select_n3A_452 : vector<16xi1>, vector<16xi32>
        %get3A_462 = arith.constant 18 : i32
        %get3A_463 = arith.index_cast %get3A_462 : i32 to index
        %get3A_464 = arith.index_cast %mul3A_302 : i32 to index
        %get3A_465 = tpu.vector_load %arg7[%get3A_463, %get3A_464] {strides = array<i32>} : memref<19x2048xf32, #tpu.memory_space<vmem>>, vector<16xf32>,
        %gt3A_466 = arith.cmpf ogt, %get3A_465, %select_n3A_458 : vector<16xf32>
        %select_n3A_467 = arith.select %gt3A_466, %get3A_465, %select_n3A_458 : vector<16xi1>, vector<16xf32>
        %broadcast_in_dim3A_468 = arith.constant 18 : i32
        %broadcast_in_dim3A_469 = vector.broadcast %broadcast_in_dim3A_468 : i32 to vector<16xi32>
        %select_n3A_470 = arith.select %gt3A_466, %broadcast_in_dim3A_469, %select_n3A_461 : vector<16xi1>, vector<16xi32>
        %get3A_471 = arith.index_cast %mul3A_302 : i32 to index
        %get3A_472 = tpu.vector_load %arg8[%get3A_471] {strides = array<i32>} : memref<2048xi32, #tpu.memory_space<vmem>>, vector<16xi32>,
        %mul3A_473 = arith.constant 32 : i32
        %mul3A_474 = vector.broadcast %mul3A_473 : i32 to vector<16xi32>
        %mul3A_475 = arith.muli %get3A_472, %mul3A_474 : vector<16xi32>
        %add3A_476 = arith.addi %mul3A_45, %mul3A_475 : vector<16xi32>
        %add3A_477 = arith.addi %add3A_476, %select_n3A_470 : vector<16xi32>
        tpu.vector_store_idx %arg9[%add3A_477], %broadcast_in_dim3A_50 {add = true} : memref<16384xf32, #tpu.memory_space<vmem>>[vector<16xi32>], vector<16xf32>,
        %add3A_478 = arith.addi %add3A_48, %get3A_472 : vector<16xi32>
        tpu.vector_store_idx %arg9[%add3A_478], %broadcast_in_dim3A_50 {add = true} : memref<16384xf32, #tpu.memory_space<vmem>>[vector<16xi32>], vector<16xf32>,
        %mul3A_479 = arith.constant 4 : i32
        %mul3A_480 = arith.muli %scan3A_116, %mul3A_479 : i32
        %add3A_481 = arith.constant 2 : i32
        %add3A_482 = arith.addi %mul3A_480, %add3A_481 : i32
        %mul3A_483 = arith.constant 16 : i32
        %mul3A_484 = arith.muli %add3A_482, %mul3A_483 : i32
        %get3A_485 = arith.constant 0 : i32
        %get3A_486 = arith.index_cast %get3A_485 : i32 to index
        %get3A_487 = arith.index_cast %mul3A_484 : i32 to index
        %get3A_488 = tpu.vector_load %arg7[%get3A_486, %get3A_487] {strides = array<i32>} : memref<19x2048xf32, #tpu.memory_space<vmem>>, vector<16xf32>,
        %broadcast_in_dim3A_489 = arith.constant 0 : i32
        %broadcast_in_dim3A_490 = vector.broadcast %broadcast_in_dim3A_489 : i32 to vector<16xi32>
        %get3A_491 = arith.constant 1 : i32
        %get3A_492 = arith.index_cast %get3A_491 : i32 to index
        %get3A_493 = arith.index_cast %mul3A_484 : i32 to index
        %get3A_494 = tpu.vector_load %arg7[%get3A_492, %get3A_493] {strides = array<i32>} : memref<19x2048xf32, #tpu.memory_space<vmem>>, vector<16xf32>,
        %gt3A_495 = arith.cmpf ogt, %get3A_494, %get3A_488 : vector<16xf32>
        %select_n3A_496 = arith.select %gt3A_495, %get3A_494, %get3A_488 : vector<16xi1>, vector<16xf32>
        %broadcast_in_dim3A_497 = arith.constant 1 : i32
        %broadcast_in_dim3A_498 = vector.broadcast %broadcast_in_dim3A_497 : i32 to vector<16xi32>
        %select_n3A_499 = arith.select %gt3A_495, %broadcast_in_dim3A_498, %broadcast_in_dim3A_490 : vector<16xi1>, vector<16xi32>
        %get3A_500 = arith.constant 2 : i32
        %get3A_501 = arith.index_cast %get3A_500 : i32 to index
        %get3A_502 = arith.index_cast %mul3A_484 : i32 to index
        %get3A_503 = tpu.vector_load %arg7[%get3A_501, %get3A_502] {strides = array<i32>} : memref<19x2048xf32, #tpu.memory_space<vmem>>, vector<16xf32>,
        %gt3A_504 = arith.cmpf ogt, %get3A_503, %select_n3A_496 : vector<16xf32>
        %select_n3A_505 = arith.select %gt3A_504, %get3A_503, %select_n3A_496 : vector<16xi1>, vector<16xf32>
        %broadcast_in_dim3A_506 = arith.constant 2 : i32
        %broadcast_in_dim3A_507 = vector.broadcast %broadcast_in_dim3A_506 : i32 to vector<16xi32>
        %select_n3A_508 = arith.select %gt3A_504, %broadcast_in_dim3A_507, %select_n3A_499 : vector<16xi1>, vector<16xi32>
        %get3A_509 = arith.constant 3 : i32
        %get3A_510 = arith.index_cast %get3A_509 : i32 to index
        %get3A_511 = arith.index_cast %mul3A_484 : i32 to index
        %get3A_512 = tpu.vector_load %arg7[%get3A_510, %get3A_511] {strides = array<i32>} : memref<19x2048xf32, #tpu.memory_space<vmem>>, vector<16xf32>,
        %gt3A_513 = arith.cmpf ogt, %get3A_512, %select_n3A_505 : vector<16xf32>
        %select_n3A_514 = arith.select %gt3A_513, %get3A_512, %select_n3A_505 : vector<16xi1>, vector<16xf32>
        %broadcast_in_dim3A_515 = arith.constant 3 : i32
        %broadcast_in_dim3A_516 = vector.broadcast %broadcast_in_dim3A_515 : i32 to vector<16xi32>
        %select_n3A_517 = arith.select %gt3A_513, %broadcast_in_dim3A_516, %select_n3A_508 : vector<16xi1>, vector<16xi32>
        %get3A_518 = arith.constant 4 : i32
        %get3A_519 = arith.index_cast %get3A_518 : i32 to index
        %get3A_520 = arith.index_cast %mul3A_484 : i32 to index
        %get3A_521 = tpu.vector_load %arg7[%get3A_519, %get3A_520] {strides = array<i32>} : memref<19x2048xf32, #tpu.memory_space<vmem>>, vector<16xf32>,
        %gt3A_522 = arith.cmpf ogt, %get3A_521, %select_n3A_514 : vector<16xf32>
        %select_n3A_523 = arith.select %gt3A_522, %get3A_521, %select_n3A_514 : vector<16xi1>, vector<16xf32>
        %broadcast_in_dim3A_524 = arith.constant 4 : i32
        %broadcast_in_dim3A_525 = vector.broadcast %broadcast_in_dim3A_524 : i32 to vector<16xi32>
        %select_n3A_526 = arith.select %gt3A_522, %broadcast_in_dim3A_525, %select_n3A_517 : vector<16xi1>, vector<16xi32>
        %get3A_527 = arith.constant 5 : i32
        %get3A_528 = arith.index_cast %get3A_527 : i32 to index
        %get3A_529 = arith.index_cast %mul3A_484 : i32 to index
        %get3A_530 = tpu.vector_load %arg7[%get3A_528, %get3A_529] {strides = array<i32>} : memref<19x2048xf32, #tpu.memory_space<vmem>>, vector<16xf32>,
        %gt3A_531 = arith.cmpf ogt, %get3A_530, %select_n3A_523 : vector<16xf32>
        %select_n3A_532 = arith.select %gt3A_531, %get3A_530, %select_n3A_523 : vector<16xi1>, vector<16xf32>
        %broadcast_in_dim3A_533 = arith.constant 5 : i32
        %broadcast_in_dim3A_534 = vector.broadcast %broadcast_in_dim3A_533 : i32 to vector<16xi32>
        %select_n3A_535 = arith.select %gt3A_531, %broadcast_in_dim3A_534, %select_n3A_526 : vector<16xi1>, vector<16xi32>
        %get3A_536 = arith.constant 6 : i32
        %get3A_537 = arith.index_cast %get3A_536 : i32 to index
        %get3A_538 = arith.index_cast %mul3A_484 : i32 to index
        %get3A_539 = tpu.vector_load %arg7[%get3A_537, %get3A_538] {strides = array<i32>} : memref<19x2048xf32, #tpu.memory_space<vmem>>, vector<16xf32>,
        %gt3A_540 = arith.cmpf ogt, %get3A_539, %select_n3A_532 : vector<16xf32>
        %select_n3A_541 = arith.select %gt3A_540, %get3A_539, %select_n3A_532 : vector<16xi1>, vector<16xf32>
        %broadcast_in_dim3A_542 = arith.constant 6 : i32
        %broadcast_in_dim3A_543 = vector.broadcast %broadcast_in_dim3A_542 : i32 to vector<16xi32>
        %select_n3A_544 = arith.select %gt3A_540, %broadcast_in_dim3A_543, %select_n3A_535 : vector<16xi1>, vector<16xi32>
        %get3A_545 = arith.constant 7 : i32
        %get3A_546 = arith.index_cast %get3A_545 : i32 to index
        %get3A_547 = arith.index_cast %mul3A_484 : i32 to index
        %get3A_548 = tpu.vector_load %arg7[%get3A_546, %get3A_547] {strides = array<i32>} : memref<19x2048xf32, #tpu.memory_space<vmem>>, vector<16xf32>,
        %gt3A_549 = arith.cmpf ogt, %get3A_548, %select_n3A_541 : vector<16xf32>
        %select_n3A_550 = arith.select %gt3A_549, %get3A_548, %select_n3A_541 : vector<16xi1>, vector<16xf32>
        %broadcast_in_dim3A_551 = arith.constant 7 : i32
        %broadcast_in_dim3A_552 = vector.broadcast %broadcast_in_dim3A_551 : i32 to vector<16xi32>
        %select_n3A_553 = arith.select %gt3A_549, %broadcast_in_dim3A_552, %select_n3A_544 : vector<16xi1>, vector<16xi32>
        %get3A_554 = arith.constant 8 : i32
        %get3A_555 = arith.index_cast %get3A_554 : i32 to index
        %get3A_556 = arith.index_cast %mul3A_484 : i32 to index
        %get3A_557 = tpu.vector_load %arg7[%get3A_555, %get3A_556] {strides = array<i32>} : memref<19x2048xf32, #tpu.memory_space<vmem>>, vector<16xf32>,
        %gt3A_558 = arith.cmpf ogt, %get3A_557, %select_n3A_550 : vector<16xf32>
        %select_n3A_559 = arith.select %gt3A_558, %get3A_557, %select_n3A_550 : vector<16xi1>, vector<16xf32>
        %broadcast_in_dim3A_560 = arith.constant 8 : i32
        %broadcast_in_dim3A_561 = vector.broadcast %broadcast_in_dim3A_560 : i32 to vector<16xi32>
        %select_n3A_562 = arith.select %gt3A_558, %broadcast_in_dim3A_561, %select_n3A_553 : vector<16xi1>, vector<16xi32>
        %get3A_563 = arith.constant 9 : i32
        %get3A_564 = arith.index_cast %get3A_563 : i32 to index
        %get3A_565 = arith.index_cast %mul3A_484 : i32 to index
        %get3A_566 = tpu.vector_load %arg7[%get3A_564, %get3A_565] {strides = array<i32>} : memref<19x2048xf32, #tpu.memory_space<vmem>>, vector<16xf32>,
        %gt3A_567 = arith.cmpf ogt, %get3A_566, %select_n3A_559 : vector<16xf32>
        %select_n3A_568 = arith.select %gt3A_567, %get3A_566, %select_n3A_559 : vector<16xi1>, vector<16xf32>
        %broadcast_in_dim3A_569 = arith.constant 9 : i32
        %broadcast_in_dim3A_570 = vector.broadcast %broadcast_in_dim3A_569 : i32 to vector<16xi32>
        %select_n3A_571 = arith.select %gt3A_567, %broadcast_in_dim3A_570, %select_n3A_562 : vector<16xi1>, vector<16xi32>
        %get3A_572 = arith.constant 10 : i32
        %get3A_573 = arith.index_cast %get3A_572 : i32 to index
        %get3A_574 = arith.index_cast %mul3A_484 : i32 to index
        %get3A_575 = tpu.vector_load %arg7[%get3A_573, %get3A_574] {strides = array<i32>} : memref<19x2048xf32, #tpu.memory_space<vmem>>, vector<16xf32>,
        %gt3A_576 = arith.cmpf ogt, %get3A_575, %select_n3A_568 : vector<16xf32>
        %select_n3A_577 = arith.select %gt3A_576, %get3A_575, %select_n3A_568 : vector<16xi1>, vector<16xf32>
        %broadcast_in_dim3A_578 = arith.constant 10 : i32
        %broadcast_in_dim3A_579 = vector.broadcast %broadcast_in_dim3A_578 : i32 to vector<16xi32>
        %select_n3A_580 = arith.select %gt3A_576, %broadcast_in_dim3A_579, %select_n3A_571 : vector<16xi1>, vector<16xi32>
        %get3A_581 = arith.constant 11 : i32
        %get3A_582 = arith.index_cast %get3A_581 : i32 to index
        %get3A_583 = arith.index_cast %mul3A_484 : i32 to index
        %get3A_584 = tpu.vector_load %arg7[%get3A_582, %get3A_583] {strides = array<i32>} : memref<19x2048xf32, #tpu.memory_space<vmem>>, vector<16xf32>,
        %gt3A_585 = arith.cmpf ogt, %get3A_584, %select_n3A_577 : vector<16xf32>
        %select_n3A_586 = arith.select %gt3A_585, %get3A_584, %select_n3A_577 : vector<16xi1>, vector<16xf32>
        %broadcast_in_dim3A_587 = arith.constant 11 : i32
        %broadcast_in_dim3A_588 = vector.broadcast %broadcast_in_dim3A_587 : i32 to vector<16xi32>
        %select_n3A_589 = arith.select %gt3A_585, %broadcast_in_dim3A_588, %select_n3A_580 : vector<16xi1>, vector<16xi32>
        %get3A_590 = arith.constant 12 : i32
        %get3A_591 = arith.index_cast %get3A_590 : i32 to index
        %get3A_592 = arith.index_cast %mul3A_484 : i32 to index
        %get3A_593 = tpu.vector_load %arg7[%get3A_591, %get3A_592] {strides = array<i32>} : memref<19x2048xf32, #tpu.memory_space<vmem>>, vector<16xf32>,
        %gt3A_594 = arith.cmpf ogt, %get3A_593, %select_n3A_586 : vector<16xf32>
        %select_n3A_595 = arith.select %gt3A_594, %get3A_593, %select_n3A_586 : vector<16xi1>, vector<16xf32>
        %broadcast_in_dim3A_596 = arith.constant 12 : i32
        %broadcast_in_dim3A_597 = vector.broadcast %broadcast_in_dim3A_596 : i32 to vector<16xi32>
        %select_n3A_598 = arith.select %gt3A_594, %broadcast_in_dim3A_597, %select_n3A_589 : vector<16xi1>, vector<16xi32>
        %get3A_599 = arith.constant 13 : i32
        %get3A_600 = arith.index_cast %get3A_599 : i32 to index
        %get3A_601 = arith.index_cast %mul3A_484 : i32 to index
        %get3A_602 = tpu.vector_load %arg7[%get3A_600, %get3A_601] {strides = array<i32>} : memref<19x2048xf32, #tpu.memory_space<vmem>>, vector<16xf32>,
        %gt3A_603 = arith.cmpf ogt, %get3A_602, %select_n3A_595 : vector<16xf32>
        %select_n3A_604 = arith.select %gt3A_603, %get3A_602, %select_n3A_595 : vector<16xi1>, vector<16xf32>
        %broadcast_in_dim3A_605 = arith.constant 13 : i32
        %broadcast_in_dim3A_606 = vector.broadcast %broadcast_in_dim3A_605 : i32 to vector<16xi32>
        %select_n3A_607 = arith.select %gt3A_603, %broadcast_in_dim3A_606, %select_n3A_598 : vector<16xi1>, vector<16xi32>
        %get3A_608 = arith.constant 14 : i32
        %get3A_609 = arith.index_cast %get3A_608 : i32 to index
        %get3A_610 = arith.index_cast %mul3A_484 : i32 to index
        %get3A_611 = tpu.vector_load %arg7[%get3A_609, %get3A_610] {strides = array<i32>} : memref<19x2048xf32, #tpu.memory_space<vmem>>, vector<16xf32>,
        %gt3A_612 = arith.cmpf ogt, %get3A_611, %select_n3A_604 : vector<16xf32>
        %select_n3A_613 = arith.select %gt3A_612, %get3A_611, %select_n3A_604 : vector<16xi1>, vector<16xf32>
        %broadcast_in_dim3A_614 = arith.constant 14 : i32
        %broadcast_in_dim3A_615 = vector.broadcast %broadcast_in_dim3A_614 : i32 to vector<16xi32>
        %select_n3A_616 = arith.select %gt3A_612, %broadcast_in_dim3A_615, %select_n3A_607 : vector<16xi1>, vector<16xi32>
        %get3A_617 = arith.constant 15 : i32
        %get3A_618 = arith.index_cast %get3A_617 : i32 to index
        %get3A_619 = arith.index_cast %mul3A_484 : i32 to index
        %get3A_620 = tpu.vector_load %arg7[%get3A_618, %get3A_619] {strides = array<i32>} : memref<19x2048xf32, #tpu.memory_space<vmem>>, vector<16xf32>,
        %gt3A_621 = arith.cmpf ogt, %get3A_620, %select_n3A_613 : vector<16xf32>
        %select_n3A_622 = arith.select %gt3A_621, %get3A_620, %select_n3A_613 : vector<16xi1>, vector<16xf32>
        %broadcast_in_dim3A_623 = arith.constant 15 : i32
        %broadcast_in_dim3A_624 = vector.broadcast %broadcast_in_dim3A_623 : i32 to vector<16xi32>
        %select_n3A_625 = arith.select %gt3A_621, %broadcast_in_dim3A_624, %select_n3A_616 : vector<16xi1>, vector<16xi32>
        %get3A_626 = arith.constant 16 : i32
        %get3A_627 = arith.index_cast %get3A_626 : i32 to index
        %get3A_628 = arith.index_cast %mul3A_484 : i32 to index
        %get3A_629 = tpu.vector_load %arg7[%get3A_627, %get3A_628] {strides = array<i32>} : memref<19x2048xf32, #tpu.memory_space<vmem>>, vector<16xf32>,
        %gt3A_630 = arith.cmpf ogt, %get3A_629, %select_n3A_622 : vector<16xf32>
        %select_n3A_631 = arith.select %gt3A_630, %get3A_629, %select_n3A_622 : vector<16xi1>, vector<16xf32>
        %broadcast_in_dim3A_632 = arith.constant 16 : i32
        %broadcast_in_dim3A_633 = vector.broadcast %broadcast_in_dim3A_632 : i32 to vector<16xi32>
        %select_n3A_634 = arith.select %gt3A_630, %broadcast_in_dim3A_633, %select_n3A_625 : vector<16xi1>, vector<16xi32>
        %get3A_635 = arith.constant 17 : i32
        %get3A_636 = arith.index_cast %get3A_635 : i32 to index
        %get3A_637 = arith.index_cast %mul3A_484 : i32 to index
        %get3A_638 = tpu.vector_load %arg7[%get3A_636, %get3A_637] {strides = array<i32>} : memref<19x2048xf32, #tpu.memory_space<vmem>>, vector<16xf32>,
        %gt3A_639 = arith.cmpf ogt, %get3A_638, %select_n3A_631 : vector<16xf32>
        %select_n3A_640 = arith.select %gt3A_639, %get3A_638, %select_n3A_631 : vector<16xi1>, vector<16xf32>
        %broadcast_in_dim3A_641 = arith.constant 17 : i32
        %broadcast_in_dim3A_642 = vector.broadcast %broadcast_in_dim3A_641 : i32 to vector<16xi32>
        %select_n3A_643 = arith.select %gt3A_639, %broadcast_in_dim3A_642, %select_n3A_634 : vector<16xi1>, vector<16xi32>
        %get3A_644 = arith.constant 18 : i32
        %get3A_645 = arith.index_cast %get3A_644 : i32 to index
        %get3A_646 = arith.index_cast %mul3A_484 : i32 to index
        %get3A_647 = tpu.vector_load %arg7[%get3A_645, %get3A_646] {strides = array<i32>} : memref<19x2048xf32, #tpu.memory_space<vmem>>, vector<16xf32>,
        %gt3A_648 = arith.cmpf ogt, %get3A_647, %select_n3A_640 : vector<16xf32>
        %select_n3A_649 = arith.select %gt3A_648, %get3A_647, %select_n3A_640 : vector<16xi1>, vector<16xf32>
        %broadcast_in_dim3A_650 = arith.constant 18 : i32
        %broadcast_in_dim3A_651 = vector.broadcast %broadcast_in_dim3A_650 : i32 to vector<16xi32>
        %select_n3A_652 = arith.select %gt3A_648, %broadcast_in_dim3A_651, %select_n3A_643 : vector<16xi1>, vector<16xi32>
        %get3A_653 = arith.index_cast %mul3A_484 : i32 to index
        %get3A_654 = tpu.vector_load %arg8[%get3A_653] {strides = array<i32>} : memref<2048xi32, #tpu.memory_space<vmem>>, vector<16xi32>,
        %mul3A_655 = arith.constant 32 : i32
        %mul3A_656 = vector.broadcast %mul3A_655 : i32 to vector<16xi32>
        %mul3A_657 = arith.muli %get3A_654, %mul3A_656 : vector<16xi32>
        %add3A_658 = arith.addi %mul3A_45, %mul3A_657 : vector<16xi32>
        %add3A_659 = arith.addi %add3A_658, %select_n3A_652 : vector<16xi32>
        tpu.vector_store_idx %arg9[%add3A_659], %broadcast_in_dim3A_50 {add = true} : memref<16384xf32, #tpu.memory_space<vmem>>[vector<16xi32>], vector<16xf32>,
        %add3A_660 = arith.addi %add3A_48, %get3A_654 : vector<16xi32>
        tpu.vector_store_idx %arg9[%add3A_660], %broadcast_in_dim3A_50 {add = true} : memref<16384xf32, #tpu.memory_space<vmem>>[vector<16xi32>], vector<16xf32>,
        %mul3A_661 = arith.constant 4 : i32
        %mul3A_662 = arith.muli %scan3A_116, %mul3A_661 : i32
        %add3A_663 = arith.constant 3 : i32
        %add3A_664 = arith.addi %mul3A_662, %add3A_663 : i32
        %mul3A_665 = arith.constant 16 : i32
        %mul3A_666 = arith.muli %add3A_664, %mul3A_665 : i32
        %get3A_667 = arith.constant 0 : i32
        %get3A_668 = arith.index_cast %get3A_667 : i32 to index
        %get3A_669 = arith.index_cast %mul3A_666 : i32 to index
        %get3A_670 = tpu.vector_load %arg7[%get3A_668, %get3A_669] {strides = array<i32>} : memref<19x2048xf32, #tpu.memory_space<vmem>>, vector<16xf32>,
        %broadcast_in_dim3A_671 = arith.constant 0 : i32
        %broadcast_in_dim3A_672 = vector.broadcast %broadcast_in_dim3A_671 : i32 to vector<16xi32>
        %get3A_673 = arith.constant 1 : i32
        %get3A_674 = arith.index_cast %get3A_673 : i32 to index
        %get3A_675 = arith.index_cast %mul3A_666 : i32 to index
        %get3A_676 = tpu.vector_load %arg7[%get3A_674, %get3A_675] {strides = array<i32>} : memref<19x2048xf32, #tpu.memory_space<vmem>>, vector<16xf32>,
        %gt3A_677 = arith.cmpf ogt, %get3A_676, %get3A_670 : vector<16xf32>
        %select_n3A_678 = arith.select %gt3A_677, %get3A_676, %get3A_670 : vector<16xi1>, vector<16xf32>
        %broadcast_in_dim3A_679 = arith.constant 1 : i32
        %broadcast_in_dim3A_680 = vector.broadcast %broadcast_in_dim3A_679 : i32 to vector<16xi32>
        %select_n3A_681 = arith.select %gt3A_677, %broadcast_in_dim3A_680, %broadcast_in_dim3A_672 : vector<16xi1>, vector<16xi32>
        %get3A_682 = arith.constant 2 : i32
        %get3A_683 = arith.index_cast %get3A_682 : i32 to index
        %get3A_684 = arith.index_cast %mul3A_666 : i32 to index
        %get3A_685 = tpu.vector_load %arg7[%get3A_683, %get3A_684] {strides = array<i32>} : memref<19x2048xf32, #tpu.memory_space<vmem>>, vector<16xf32>,
        %gt3A_686 = arith.cmpf ogt, %get3A_685, %select_n3A_678 : vector<16xf32>
        %select_n3A_687 = arith.select %gt3A_686, %get3A_685, %select_n3A_678 : vector<16xi1>, vector<16xf32>
        %broadcast_in_dim3A_688 = arith.constant 2 : i32
        %broadcast_in_dim3A_689 = vector.broadcast %broadcast_in_dim3A_688 : i32 to vector<16xi32>
        %select_n3A_690 = arith.select %gt3A_686, %broadcast_in_dim3A_689, %select_n3A_681 : vector<16xi1>, vector<16xi32>
        %get3A_691 = arith.constant 3 : i32
        %get3A_692 = arith.index_cast %get3A_691 : i32 to index
        %get3A_693 = arith.index_cast %mul3A_666 : i32 to index
        %get3A_694 = tpu.vector_load %arg7[%get3A_692, %get3A_693] {strides = array<i32>} : memref<19x2048xf32, #tpu.memory_space<vmem>>, vector<16xf32>,
        %gt3A_695 = arith.cmpf ogt, %get3A_694, %select_n3A_687 : vector<16xf32>
        %select_n3A_696 = arith.select %gt3A_695, %get3A_694, %select_n3A_687 : vector<16xi1>, vector<16xf32>
        %broadcast_in_dim3A_697 = arith.constant 3 : i32
        %broadcast_in_dim3A_698 = vector.broadcast %broadcast_in_dim3A_697 : i32 to vector<16xi32>
        %select_n3A_699 = arith.select %gt3A_695, %broadcast_in_dim3A_698, %select_n3A_690 : vector<16xi1>, vector<16xi32>
        %get3A_700 = arith.constant 4 : i32
        %get3A_701 = arith.index_cast %get3A_700 : i32 to index
        %get3A_702 = arith.index_cast %mul3A_666 : i32 to index
        %get3A_703 = tpu.vector_load %arg7[%get3A_701, %get3A_702] {strides = array<i32>} : memref<19x2048xf32, #tpu.memory_space<vmem>>, vector<16xf32>,
        %gt3A_704 = arith.cmpf ogt, %get3A_703, %select_n3A_696 : vector<16xf32>
        %select_n3A_705 = arith.select %gt3A_704, %get3A_703, %select_n3A_696 : vector<16xi1>, vector<16xf32>
        %broadcast_in_dim3A_706 = arith.constant 4 : i32
        %broadcast_in_dim3A_707 = vector.broadcast %broadcast_in_dim3A_706 : i32 to vector<16xi32>
        %select_n3A_708 = arith.select %gt3A_704, %broadcast_in_dim3A_707, %select_n3A_699 : vector<16xi1>, vector<16xi32>
        %get3A_709 = arith.constant 5 : i32
        %get3A_710 = arith.index_cast %get3A_709 : i32 to index
        %get3A_711 = arith.index_cast %mul3A_666 : i32 to index
        %get3A_712 = tpu.vector_load %arg7[%get3A_710, %get3A_711] {strides = array<i32>} : memref<19x2048xf32, #tpu.memory_space<vmem>>, vector<16xf32>,
        %gt3A_713 = arith.cmpf ogt, %get3A_712, %select_n3A_705 : vector<16xf32>
        %select_n3A_714 = arith.select %gt3A_713, %get3A_712, %select_n3A_705 : vector<16xi1>, vector<16xf32>
        %broadcast_in_dim3A_715 = arith.constant 5 : i32
        %broadcast_in_dim3A_716 = vector.broadcast %broadcast_in_dim3A_715 : i32 to vector<16xi32>
        %select_n3A_717 = arith.select %gt3A_713, %broadcast_in_dim3A_716, %select_n3A_708 : vector<16xi1>, vector<16xi32>
        %get3A_718 = arith.constant 6 : i32
        %get3A_719 = arith.index_cast %get3A_718 : i32 to index
        %get3A_720 = arith.index_cast %mul3A_666 : i32 to index
        %get3A_721 = tpu.vector_load %arg7[%get3A_719, %get3A_720] {strides = array<i32>} : memref<19x2048xf32, #tpu.memory_space<vmem>>, vector<16xf32>,
        %gt3A_722 = arith.cmpf ogt, %get3A_721, %select_n3A_714 : vector<16xf32>
        %select_n3A_723 = arith.select %gt3A_722, %get3A_721, %select_n3A_714 : vector<16xi1>, vector<16xf32>
        %broadcast_in_dim3A_724 = arith.constant 6 : i32
        %broadcast_in_dim3A_725 = vector.broadcast %broadcast_in_dim3A_724 : i32 to vector<16xi32>
        %select_n3A_726 = arith.select %gt3A_722, %broadcast_in_dim3A_725, %select_n3A_717 : vector<16xi1>, vector<16xi32>
        %get3A_727 = arith.constant 7 : i32
        %get3A_728 = arith.index_cast %get3A_727 : i32 to index
        %get3A_729 = arith.index_cast %mul3A_666 : i32 to index
        %get3A_730 = tpu.vector_load %arg7[%get3A_728, %get3A_729] {strides = array<i32>} : memref<19x2048xf32, #tpu.memory_space<vmem>>, vector<16xf32>,
        %gt3A_731 = arith.cmpf ogt, %get3A_730, %select_n3A_723 : vector<16xf32>
        %select_n3A_732 = arith.select %gt3A_731, %get3A_730, %select_n3A_723 : vector<16xi1>, vector<16xf32>
        %broadcast_in_dim3A_733 = arith.constant 7 : i32
        %broadcast_in_dim3A_734 = vector.broadcast %broadcast_in_dim3A_733 : i32 to vector<16xi32>
        %select_n3A_735 = arith.select %gt3A_731, %broadcast_in_dim3A_734, %select_n3A_726 : vector<16xi1>, vector<16xi32>
        %get3A_736 = arith.constant 8 : i32
        %get3A_737 = arith.index_cast %get3A_736 : i32 to index
        %get3A_738 = arith.index_cast %mul3A_666 : i32 to index
        %get3A_739 = tpu.vector_load %arg7[%get3A_737, %get3A_738] {strides = array<i32>} : memref<19x2048xf32, #tpu.memory_space<vmem>>, vector<16xf32>,
        %gt3A_740 = arith.cmpf ogt, %get3A_739, %select_n3A_732 : vector<16xf32>
        %select_n3A_741 = arith.select %gt3A_740, %get3A_739, %select_n3A_732 : vector<16xi1>, vector<16xf32>
        %broadcast_in_dim3A_742 = arith.constant 8 : i32
        %broadcast_in_dim3A_743 = vector.broadcast %broadcast_in_dim3A_742 : i32 to vector<16xi32>
        %select_n3A_744 = arith.select %gt3A_740, %broadcast_in_dim3A_743, %select_n3A_735 : vector<16xi1>, vector<16xi32>
        %get3A_745 = arith.constant 9 : i32
        %get3A_746 = arith.index_cast %get3A_745 : i32 to index
        %get3A_747 = arith.index_cast %mul3A_666 : i32 to index
        %get3A_748 = tpu.vector_load %arg7[%get3A_746, %get3A_747] {strides = array<i32>} : memref<19x2048xf32, #tpu.memory_space<vmem>>, vector<16xf32>,
        %gt3A_749 = arith.cmpf ogt, %get3A_748, %select_n3A_741 : vector<16xf32>
        %select_n3A_750 = arith.select %gt3A_749, %get3A_748, %select_n3A_741 : vector<16xi1>, vector<16xf32>
        %broadcast_in_dim3A_751 = arith.constant 9 : i32
        %broadcast_in_dim3A_752 = vector.broadcast %broadcast_in_dim3A_751 : i32 to vector<16xi32>
        %select_n3A_753 = arith.select %gt3A_749, %broadcast_in_dim3A_752, %select_n3A_744 : vector<16xi1>, vector<16xi32>
        %get3A_754 = arith.constant 10 : i32
        %get3A_755 = arith.index_cast %get3A_754 : i32 to index
        %get3A_756 = arith.index_cast %mul3A_666 : i32 to index
        %get3A_757 = tpu.vector_load %arg7[%get3A_755, %get3A_756] {strides = array<i32>} : memref<19x2048xf32, #tpu.memory_space<vmem>>, vector<16xf32>,
        %gt3A_758 = arith.cmpf ogt, %get3A_757, %select_n3A_750 : vector<16xf32>
        %select_n3A_759 = arith.select %gt3A_758, %get3A_757, %select_n3A_750 : vector<16xi1>, vector<16xf32>
        %broadcast_in_dim3A_760 = arith.constant 10 : i32
        %broadcast_in_dim3A_761 = vector.broadcast %broadcast_in_dim3A_760 : i32 to vector<16xi32>
        %select_n3A_762 = arith.select %gt3A_758, %broadcast_in_dim3A_761, %select_n3A_753 : vector<16xi1>, vector<16xi32>
        %get3A_763 = arith.constant 11 : i32
        %get3A_764 = arith.index_cast %get3A_763 : i32 to index
        %get3A_765 = arith.index_cast %mul3A_666 : i32 to index
        %get3A_766 = tpu.vector_load %arg7[%get3A_764, %get3A_765] {strides = array<i32>} : memref<19x2048xf32, #tpu.memory_space<vmem>>, vector<16xf32>,
        %gt3A_767 = arith.cmpf ogt, %get3A_766, %select_n3A_759 : vector<16xf32>
        %select_n3A_768 = arith.select %gt3A_767, %get3A_766, %select_n3A_759 : vector<16xi1>, vector<16xf32>
        %broadcast_in_dim3A_769 = arith.constant 11 : i32
        %broadcast_in_dim3A_770 = vector.broadcast %broadcast_in_dim3A_769 : i32 to vector<16xi32>
        %select_n3A_771 = arith.select %gt3A_767, %broadcast_in_dim3A_770, %select_n3A_762 : vector<16xi1>, vector<16xi32>
        %get3A_772 = arith.constant 12 : i32
        %get3A_773 = arith.index_cast %get3A_772 : i32 to index
        %get3A_774 = arith.index_cast %mul3A_666 : i32 to index
        %get3A_775 = tpu.vector_load %arg7[%get3A_773, %get3A_774] {strides = array<i32>} : memref<19x2048xf32, #tpu.memory_space<vmem>>, vector<16xf32>,
        %gt3A_776 = arith.cmpf ogt, %get3A_775, %select_n3A_768 : vector<16xf32>
        %select_n3A_777 = arith.select %gt3A_776, %get3A_775, %select_n3A_768 : vector<16xi1>, vector<16xf32>
        %broadcast_in_dim3A_778 = arith.constant 12 : i32
        %broadcast_in_dim3A_779 = vector.broadcast %broadcast_in_dim3A_778 : i32 to vector<16xi32>
        %select_n3A_780 = arith.select %gt3A_776, %broadcast_in_dim3A_779, %select_n3A_771 : vector<16xi1>, vector<16xi32>
        %get3A_781 = arith.constant 13 : i32
        %get3A_782 = arith.index_cast %get3A_781 : i32 to index
        %get3A_783 = arith.index_cast %mul3A_666 : i32 to index
        %get3A_784 = tpu.vector_load %arg7[%get3A_782, %get3A_783] {strides = array<i32>} : memref<19x2048xf32, #tpu.memory_space<vmem>>, vector<16xf32>,
        %gt3A_785 = arith.cmpf ogt, %get3A_784, %select_n3A_777 : vector<16xf32>
        %select_n3A_786 = arith.select %gt3A_785, %get3A_784, %select_n3A_777 : vector<16xi1>, vector<16xf32>
        %broadcast_in_dim3A_787 = arith.constant 13 : i32
        %broadcast_in_dim3A_788 = vector.broadcast %broadcast_in_dim3A_787 : i32 to vector<16xi32>
        %select_n3A_789 = arith.select %gt3A_785, %broadcast_in_dim3A_788, %select_n3A_780 : vector<16xi1>, vector<16xi32>
        %get3A_790 = arith.constant 14 : i32
        %get3A_791 = arith.index_cast %get3A_790 : i32 to index
        %get3A_792 = arith.index_cast %mul3A_666 : i32 to index
        %get3A_793 = tpu.vector_load %arg7[%get3A_791, %get3A_792] {strides = array<i32>} : memref<19x2048xf32, #tpu.memory_space<vmem>>, vector<16xf32>,
        %gt3A_794 = arith.cmpf ogt, %get3A_793, %select_n3A_786 : vector<16xf32>
        %select_n3A_795 = arith.select %gt3A_794, %get3A_793, %select_n3A_786 : vector<16xi1>, vector<16xf32>
        %broadcast_in_dim3A_796 = arith.constant 14 : i32
        %broadcast_in_dim3A_797 = vector.broadcast %broadcast_in_dim3A_796 : i32 to vector<16xi32>
        %select_n3A_798 = arith.select %gt3A_794, %broadcast_in_dim3A_797, %select_n3A_789 : vector<16xi1>, vector<16xi32>
        %get3A_799 = arith.constant 15 : i32
        %get3A_800 = arith.index_cast %get3A_799 : i32 to index
        %get3A_801 = arith.index_cast %mul3A_666 : i32 to index
        %get3A_802 = tpu.vector_load %arg7[%get3A_800, %get3A_801] {strides = array<i32>} : memref<19x2048xf32, #tpu.memory_space<vmem>>, vector<16xf32>,
        %gt3A_803 = arith.cmpf ogt, %get3A_802, %select_n3A_795 : vector<16xf32>
        %select_n3A_804 = arith.select %gt3A_803, %get3A_802, %select_n3A_795 : vector<16xi1>, vector<16xf32>
        %broadcast_in_dim3A_805 = arith.constant 15 : i32
        %broadcast_in_dim3A_806 = vector.broadcast %broadcast_in_dim3A_805 : i32 to vector<16xi32>
        %select_n3A_807 = arith.select %gt3A_803, %broadcast_in_dim3A_806, %select_n3A_798 : vector<16xi1>, vector<16xi32>
        %get3A_808 = arith.constant 16 : i32
        %get3A_809 = arith.index_cast %get3A_808 : i32 to index
        %get3A_810 = arith.index_cast %mul3A_666 : i32 to index
        %get3A_811 = tpu.vector_load %arg7[%get3A_809, %get3A_810] {strides = array<i32>} : memref<19x2048xf32, #tpu.memory_space<vmem>>, vector<16xf32>,
        %gt3A_812 = arith.cmpf ogt, %get3A_811, %select_n3A_804 : vector<16xf32>
        %select_n3A_813 = arith.select %gt3A_812, %get3A_811, %select_n3A_804 : vector<16xi1>, vector<16xf32>
        %broadcast_in_dim3A_814 = arith.constant 16 : i32
        %broadcast_in_dim3A_815 = vector.broadcast %broadcast_in_dim3A_814 : i32 to vector<16xi32>
        %select_n3A_816 = arith.select %gt3A_812, %broadcast_in_dim3A_815, %select_n3A_807 : vector<16xi1>, vector<16xi32>
        %get3A_817 = arith.constant 17 : i32
        %get3A_818 = arith.index_cast %get3A_817 : i32 to index
        %get3A_819 = arith.index_cast %mul3A_666 : i32 to index
        %get3A_820 = tpu.vector_load %arg7[%get3A_818, %get3A_819] {strides = array<i32>} : memref<19x2048xf32, #tpu.memory_space<vmem>>, vector<16xf32>,
        %gt3A_821 = arith.cmpf ogt, %get3A_820, %select_n3A_813 : vector<16xf32>
        %select_n3A_822 = arith.select %gt3A_821, %get3A_820, %select_n3A_813 : vector<16xi1>, vector<16xf32>
        %broadcast_in_dim3A_823 = arith.constant 17 : i32
        %broadcast_in_dim3A_824 = vector.broadcast %broadcast_in_dim3A_823 : i32 to vector<16xi32>
        %select_n3A_825 = arith.select %gt3A_821, %broadcast_in_dim3A_824, %select_n3A_816 : vector<16xi1>, vector<16xi32>
        %get3A_826 = arith.constant 18 : i32
        %get3A_827 = arith.index_cast %get3A_826 : i32 to index
        %get3A_828 = arith.index_cast %mul3A_666 : i32 to index
        %get3A_829 = tpu.vector_load %arg7[%get3A_827, %get3A_828] {strides = array<i32>} : memref<19x2048xf32, #tpu.memory_space<vmem>>, vector<16xf32>,
        %gt3A_830 = arith.cmpf ogt, %get3A_829, %select_n3A_822 : vector<16xf32>
        %select_n3A_831 = arith.select %gt3A_830, %get3A_829, %select_n3A_822 : vector<16xi1>, vector<16xf32>
        %broadcast_in_dim3A_832 = arith.constant 18 : i32
        %broadcast_in_dim3A_833 = vector.broadcast %broadcast_in_dim3A_832 : i32 to vector<16xi32>
        %select_n3A_834 = arith.select %gt3A_830, %broadcast_in_dim3A_833, %select_n3A_825 : vector<16xi1>, vector<16xi32>
        %get3A_835 = arith.index_cast %mul3A_666 : i32 to index
        %get3A_836 = tpu.vector_load %arg8[%get3A_835] {strides = array<i32>} : memref<2048xi32, #tpu.memory_space<vmem>>, vector<16xi32>,
        %mul3A_837 = arith.constant 32 : i32
        %mul3A_838 = vector.broadcast %mul3A_837 : i32 to vector<16xi32>
        %mul3A_839 = arith.muli %get3A_836, %mul3A_838 : vector<16xi32>
        %add3A_840 = arith.addi %mul3A_45, %mul3A_839 : vector<16xi32>
        %add3A_841 = arith.addi %add3A_840, %select_n3A_834 : vector<16xi32>
        tpu.vector_store_idx %arg9[%add3A_841], %broadcast_in_dim3A_50 {add = true} : memref<16384xf32, #tpu.memory_space<vmem>>[vector<16xi32>], vector<16xf32>,
        %add3A_842 = arith.addi %add3A_48, %get3A_836 : vector<16xi32>
        tpu.vector_store_idx %arg9[%add3A_842], %broadcast_in_dim3A_50 {add = true} : memref<16384xf32, #tpu.memory_space<vmem>>[vector<16xi32>], vector<16xf32>,
      }
      %scan3A_108 = arith.constant 32 : i32
      %add3A_109 = arith.constant 3 : i32
      %add3A_110 = arith.addi %mul3A_74, %add3A_109 : i32
      %lt3A_111 = arith.constant 32 : i32
      %lt3A_112 = arith.cmpi slt, %add3A_110, %lt3A_111 : i32
      %convert_element_type3A_113 = arith.extui %lt3A_112 : i1 to i32
      %cond3A_114 = arith.constant 0 : i32
      %cond3A_115 = arith.cmpi ne, %convert_element_type3A_113, %cond3A_114 : i32
      scf.if %cond3A_115 {
        %add3A_116 = arith.constant 3 : i32
        %add3A_117 = arith.addi %mul3A_74, %add3A_116 : i32
        %mul3A_118 = arith.constant 2048 : i32
        %mul3A_119 = arith.muli %add3A_117, %mul3A_118 : i32
        %add3A_120 = arith.addi %mul3A_36, %mul3A_119 : i32
        %dma_start3A_121 = tpu.memref_slice %arg2[%mul3A_32, %add3A_120] : memref<152x262144xf32, #tpu.memory_space<hbm>> -> memref<19x2048xf32, #tpu.memory_space<hbm>>
        %dma_start3A_122 = tpu.memref_slice %arg2[%mul3A_32, %add3A_120] : memref<152x262144xf32, #tpu.memory_space<hbm>> -> memref<19x2048xf32, #tpu.memory_space<hbm>>
        tpu.enqueue_dma source(%dma_start3A_122 : memref<19x2048xf32, #tpu.memory_space<hbm>>) target(%arg7 : memref<19x2048xf32, #tpu.memory_space<vmem>>) target_semaphore(%arg11 : memref<!tpu.dma_semaphore, #tpu.memory_space<semaphore_mem>>)
        %add3A_123 = arith.addi %mul3A_34, %add3A_120 : i32
        %dma_start3A_124 = tpu.memref_slice %arg3[%add3A_123] : memref<2097152xi32, #tpu.memory_space<hbm>> -> memref<2048xi32, #tpu.memory_space<hbm>>
        %dma_start3A_125 = tpu.memref_slice %arg3[%add3A_123] : memref<2097152xi32, #tpu.memory_space<hbm>> -> memref<2048xi32, #tpu.memory_space<hbm>>
        tpu.enqueue_dma source(%dma_start3A_125 : memref<2048xi32, #tpu.memory_space<hbm>>) target(%arg8 : memref<2048xi32, #tpu.memory_space<vmem>>) target_semaphore(%arg11 : memref<!tpu.dma_semaphore, #tpu.memory_space<semaphore_mem>>)
      } else {
      }
    }
    %scan3A_69 = arith.constant 16 : i32
    %mul3A_70 = arith.constant 16384 : i32
    %mul3A_71 = arith.muli %add3A, %mul3A_70 : i32
    "tpu.region"() ({
      %run_scoped3A = tpu.sem_alloc : memref<!tpu.dma_semaphore, #tpu.memory_space<semaphore_mem>>
      %dma_start3A_72 = tpu.memref_slice %arg4[%mul3A_71] : memref<524288xf32, #tpu.memory_space<hbm>> -> memref<16384xf32, #tpu.memory_space<hbm>>
      %dma_start3A_73 = tpu.memref_slice %arg4[%mul3A_71] : memref<524288xf32, #tpu.memory_space<hbm>> -> memref<16384xf32, #tpu.memory_space<hbm>>
      tpu.enqueue_dma source(%arg9 : memref<16384xf32, #tpu.memory_space<vmem>>) target(%dma_start3A_73 : memref<16384xf32, #tpu.memory_space<hbm>>) target_semaphore(%run_scoped3A : memref<!tpu.dma_semaphore, #tpu.memory_space<semaphore_mem>>)
      %dma_wait3A = tpu.memref_slice %arg4[%mul3A_71] : memref<524288xf32, #tpu.memory_space<hbm>> -> memref<16384xf32, #tpu.memory_space<hbm>>
      %dma_wait3A_74 = tpu.memref_slice %arg4[%mul3A_71] : memref<524288xf32, #tpu.memory_space<hbm>> -> memref<16384xf32, #tpu.memory_space<hbm>>
      tpu.wait_dma2 semaphore(%run_scoped3A : memref<!tpu.dma_semaphore, #tpu.memory_space<semaphore_mem>>) src(%arg9 : memref<16384xf32, #tpu.memory_space<vmem>>) dst(%dma_wait3A_74 : memref<16384xf32, #tpu.memory_space<hbm>>)
      tpu.yield
    }) : () -> ()
    return
  }
}

module attributes {stable_mosaic.version = 14 : i64} {
  func.func @_fin_body(%arg0: memref<512x32x32xf32, #tpu.memory_space<vmem>>, %arg1: memref<1x19xf32, #tpu.memory_space<vmem>>, %arg2: memref<1x19xf32, #tpu.memory_space<vmem>>, %arg3: memref<1x1xf32, #tpu.memory_space<vmem>>, %arg4: memref<1x19xf32, #tpu.memory_space<vmem>>) attributes {dimension_semantics = [], scalar_prefetch = 0 : i64, scratch_operands = 0 : i64, tpu.core_type = #tpu.core_type<tc>} {
    %get3A = arith.constant 0 : index
    %get3A_0 = arith.constant 0 : index
    %get3A_1 = arith.constant 0 : index
    %get3A_2 = vector.load %arg0[%get3A, %get3A_0, %get3A_1] : memref<512x32x32xf32, #tpu.memory_space<vmem>>, vector<512x32x32xf32>
    %reduce_sum3A = arith.constant dense<0.000000e+00> : vector<32x32xf32>
    %reduce_sum3A_3 = vector.multi_reduction <add>, %get3A_2, %reduce_sum3A [0] : vector<512x32x32xf32> to vector<32x32xf32>
    %slice3A = vector.extract_strided_slice %reduce_sum3A_3 {offsets = [0, 0], sizes = [19, 32], strides = [1, 1]} : vector<32x32xf32> to vector<19x32xf32>
    %iota3A = tpu.iota {dimensions = array<i32: 0>} : vector<19x32xi32>
    %iota3A_4 = tpu.iota {dimensions = array<i32: 1>} : vector<19x32xi32>
    %eq3A = arith.cmpi eq, %iota3A, %iota3A_4 : vector<19x32xi32>
    %convert_element_type3A = arith.extui %eq3A : vector<19x32xi1> to vector<19x32xi32>
    %convert_element_type3A_5 = arith.sitofp %convert_element_type3A : vector<19x32xi32> to vector<19x32xf32>
    %mul3A = arith.mulf %slice3A, %convert_element_type3A_5 : vector<19x32xf32>
    %reduce_sum3A_6 = arith.constant dense<0.000000e+00> : vector<32xf32>
    %reduce_sum3A_7 = vector.multi_reduction <add>, %mul3A, %reduce_sum3A_6 [0] : vector<19x32xf32> to vector<32xf32>
    %broadcast_in_dim3A = vector.shape_cast %reduce_sum3A_7 : vector<32xf32> to vector<1x32xf32>
    %reduce_sum3A_8 = arith.constant dense<0.000000e+00> : vector<32xf32>
    %reduce_sum3A_9 = vector.multi_reduction <add>, %slice3A, %reduce_sum3A_8 [0] : vector<19x32xf32> to vector<32xf32>
    %broadcast_in_dim3A_10 = vector.shape_cast %reduce_sum3A_9 : vector<32xf32> to vector<1x32xf32>
    %slice3A_11 = vector.extract_strided_slice %reduce_sum3A_3 {offsets = [19, 0], sizes = [1, 32], strides = [1, 1]} : vector<32x32xf32> to vector<1x32xf32>
    %reduce_sum3A_12 = vector.shape_cast %slice3A_11 : vector<1x32xf32> to vector<1x1x32xf32>
    %reduce_sum3A_13 = arith.constant dense<0.000000e+00> : vector<1xf32>
    %reduce_sum3A_14 = vector.multi_reduction <add>, %reduce_sum3A_12, %reduce_sum3A_13 [1, 2] : vector<1x1x32xf32> to vector<1xf32>
    %reduce_sum3A_15 = vector.shape_cast %reduce_sum3A_14 : vector<1xf32> to vector<1x1x1xf32>
    %reduce_sum3A_16 = vector.extract %reduce_sum3A_15[0, 0, 0] : f32 from vector<1x1x1xf32>
    %slice3A_17 = vector.extract_strided_slice %broadcast_in_dim3A {offsets = [0, 0], sizes = [1, 19], strides = [1, 1]} : vector<1x32xf32> to vector<1x19xf32>
    %swap3A = arith.constant 0 : index
    %swap3A_18 = arith.constant 0 : index
    %swap3A_19 = vector.load %arg1[%swap3A, %swap3A_18] : memref<1x19xf32, #tpu.memory_space<vmem>>, vector<1x19xf32>
    tpu.vector_store %arg1[%swap3A, %swap3A_18], %slice3A_17 {strides = array<i32>} : memref<1x19xf32, #tpu.memory_space<vmem>>, vector<1x19xf32>,
    %add3A = arith.addf %slice3A_11, %broadcast_in_dim3A_10 : vector<1x32xf32>
    %sub3A = arith.subf %add3A, %broadcast_in_dim3A : vector<1x32xf32>
    %slice3A_20 = vector.extract_strided_slice %sub3A {offsets = [0, 0], sizes = [1, 19], strides = [1, 1]} : vector<1x32xf32> to vector<1x19xf32>
    %swap3A_21 = arith.constant 0 : index
    %swap3A_22 = arith.constant 0 : index
    %swap3A_23 = vector.load %arg2[%swap3A_21, %swap3A_22] : memref<1x19xf32, #tpu.memory_space<vmem>>, vector<1x19xf32>
    tpu.vector_store %arg2[%swap3A_21, %swap3A_22], %slice3A_20 {strides = array<i32>} : memref<1x19xf32, #tpu.memory_space<vmem>>, vector<1x19xf32>,
    %reshape3A = vector.broadcast %reduce_sum3A_16 : f32 to vector<1x1xf32>
    %swap3A_24 = arith.constant 0 : index
    %swap3A_25 = arith.constant 0 : index
    %swap3A_26 = vector.load %arg3[%swap3A_24, %swap3A_25] : memref<1x1xf32, #tpu.memory_space<vmem>>, vector<1x1xf32>
    tpu.vector_store %arg3[%swap3A_24, %swap3A_25], %reshape3A {strides = array<i32>} : memref<1x1xf32, #tpu.memory_space<vmem>>, vector<1x1xf32>,
    %div3A = vector.broadcast %reduce_sum3A_16 : f32 to vector<1x32xf32>
    %div3A_27 = arith.divf %slice3A_11, %div3A : vector<1x32xf32>
    %slice3A_28 = vector.extract_strided_slice %div3A_27 {offsets = [0, 0], sizes = [1, 19], strides = [1, 1]} : vector<1x32xf32> to vector<1x19xf32>
    %swap3A_29 = arith.constant 0 : index
    %swap3A_30 = arith.constant 0 : index
    %swap3A_31 = vector.load %arg4[%swap3A_29, %swap3A_30] : memref<1x19xf32, #tpu.memory_space<vmem>>, vector<1x19xf32>
    tpu.vector_store %arg4[%swap3A_29, %swap3A_30], %slice3A_28 {strides = array<i32>} : memref<1x19xf32, #tpu.memory_space<vmem>>, vector<1x19xf32>,
    return
  }
}

</mosaic_0001>

<sc_bundles>
// kernel: kernel.4.cloned.1.call-start
scs
__scs_entry_jumppad:
0x0: {  	(pc) =	sbr.rel $0x88, $3  }
0x1: {  	(tag) =	ssettag $0x0;
	lr =	simm.s32 $0x1  }
0x2: {  	[smem:$0x3F9F] =	sst lr;
	_ =	strace $0xD0000000  }
0x3: {  	_ = 	snop  }
0x4: {  	_ = 	snop  }
0x5: {  	_ = 	snop  }
0x6: {  	_ = 	snop  }
0x7: {  	_ = 	snop  }
__scs_overlays_trampoline_lowered:
0x8: {  	[smem:$0x3FAE] =	sst s0  }
0x9: {  	[smem:$0x3FAF] =	sst s1  }
0xa: {  	[smem:$0x3FB0] =	sst s2  }
0xb: {  	[smem:$0x3FB1] =	sst s3  }
0xc: {  	[smem:$0x3FB2] =	sst s4  }
0xd: {  	[smem:$0x3FB3] =	sst s5  }
0xe: {  	[smem:$0x3FB4] =	sst s6  }
0xf: {  	[smem:$0x3FB5] =	sst s7  }
0x10: {  	[smem:$0x3FB6] =	sst s8  }
0x11: {  	[smem:$0x3FB7] =	sst s9;
	s0 =	simm.s32 @!p0 $0x0  }
0x12: {  	s1 =	sld [smem:$0x3F9D];
	s0 =	simm.s32 @p0 $0x1  }
0x13: {  	[smem:$0x3FB8] =	sst s0;
	s0 =	simm.s32 @!p1 $0x0  }
0x14: {  	s2 =	sld [smem:$0x3F9C];
	s0 =	simm.s32 @p1 $0x1  }
0x15: {  	[smem:$0x3FB9] =	sst s0;
	s0 =	simm.s32 @!p2 $0x0  }
0x16: {  	s3 =	sld [smem:$0x3FDB];
	s0 =	simm.s32 @p2 $0x1  }
0x17: {  	s4 =	simm.s32 $0x1BF5;
	[smem:$0x3FBB] =	sst s0  }
0x18: {  	s0 =	sld [smem:$0x3F9E];
	_ =	swait.ge [sflag:s4], $0x0  }
0x19: {  	s7 =	sld [smem:$0x3F9F]  }
0x1a: {  	s8 =	sadd.s32 $0xFFFFE003, lr  }
0x1b: {  	s9 =	sadd.s32 $0xFFFFFEF7, lr;
	s5 =	simm.s32 $0xFFFFFFFF;
	p2 =	slt.u32 s8, $0xFFFFF086  }
0x1c: {  	p1 =	slt.u32 s9, $0xF7A;
	s5 =	simm.s32 @!p2 $0x0  }
0x1d: {  	s5 =	simm.s32 @p1 $0x1;
	p0 =	seq.s32 s7, s2  }
0x1e: {  	s7 =	smul.u32 @!p0 $0xF7A, s2;
	p2 =	seq.s32 @!p0 s5, $0x0  }
0x1f: {  	s9 =	smul.u32 $0xF7A, s1;
	s8 =	simm.s32 @!p0 $0x1BF5;
	p2 =	por !p2, p0  }
0x20: {  	[sflag:s8] =	ssyncset.s32 @!p0 $0xFFFFF086;
	s6 =	sadd.s32 @!p0 s3, s7;
	s7 =	simm.s32 @!p0 $0x108  }
0x21: {  	s3 =	sadd.s32 s3, s9;
	s6 =	sadd.s32 @!p0 $0x88, s6;
	s7 =	simm.s32 @p2 $0x1082  }
0x22: {  	[simem:s7], [sflag:s8] =	dma.local @!p0 [hbm:s6], $0xF7A  }
0x23: {  	s9 =	sor.u32 $0xD0000000, s2;
	s6 =	simm.s32 $0x108;
	_ =	swait.ge @!p0 [sflag:s8], $0x0  }
0x24: {  	s3 =	sadd.s32 $0x88, s3;
	s6 =	simm.s32 @!p1 $0x1082;
	[sflag:s4] =	ssyncset.s32 $0xFFFFF086  }
0x25: {  	[simem:s6], [sflag:s4] =	dma.local [hbm:s3], $0xF7A  }
0x26: {  	[smem:$0x3F9F] =	sst s1;
	(tag) =	ssettag s2;
	_ =	strace s9  }
0x27: {  	s1 =	sld [smem:$0x3FAF]  }
0x28: {  	s2 =	sld [smem:$0x3FB0]  }
0x29: {  	s4 =	sld [smem:$0x3FB2]  }
0x2a: {  	p0 =	seq.s32 s5, $0x0;
	s5 =	sld [smem:$0x3FB3]  }
0x2b: {  	s6 =	sld [smem:$0x3FB4]  }
0x2c: {  	s7 =	sld [smem:$0x3FB5]  }
0x2d: {  	s3 =	simm.s32 $0x108;
	s8 =	sld [smem:$0x3FB6]  }
0x2e: {  	s3 =	simm.s32 @!p0 $0x1082;
	s9 =	sld [smem:$0x3FB7]  }
0x2f: {  	lr =	sadd.s32 s0, s3;
	s0 =	sld [smem:$0x3FAE]  }
0x30: {  	s3 =	sld [smem:$0x3FB1]  }
0x31: {  	[smem:$0x3FBA] =	sst s10  }
0x32: {  	s10 =	sld [smem:$0x3FB8];
	_ =	sdelay $0x3  }
0x33: {  	p0 =	seq.s32 s10, $0x1;
	s10 =	sld [smem:$0x3FBA];
	_ =	sdelay $0x3  }
0x34: {  	[smem:$0x3FBA] =	sst s10  }
0x35: {  	s10 =	sld [smem:$0x3FB9];
	_ =	sdelay $0x3  }
0x36: {  	p1 =	seq.s32 s10, $0x1;
	s10 =	sld [smem:$0x3FBA];
	_ =	sdelay $0x3  }
0x37: {  	[smem:$0x3FBA] =	sst s10  }
0x38: {  	s10 =	sld [smem:$0x3FBB]  }
0x39: {  	_ = 	snop;
	(pc) =	sbr.ind lr, $3  }
0x3a: {  	_ = 	snop  }
0x3b: {  	_ = 	snop  }
0x3c: {  	p2 =	seq.s32 s10, $0x1;
	s10 =	sld [smem:$0x3FBA]  }
0x3d: {  	_ =	shalt  }
0x3e: {  	_ =	shalt  }
0x3f: {  	_ =	shalt  }
0x40: {  	_ =	shalt  }
0x41: {  	_ =	shalt  }
0x42: {  	_ =	shalt  }
0x43: {  	_ =	shalt  }
0x44: {  	_ =	shalt  }
0x45: {  	_ =	shalt  }
0x46: {  	_ =	shalt  }
0x47: {  	_ =	shalt  }
0x48: {  	_ =	shalt  }
0x49: {  	_ =	shalt  }
0x4a: {  	_ =	shalt  }
0x4b: {  	_ =	shalt  }
0x4c: {  	_ =	shalt  }
0x4d: {  	_ =	shalt  }
0x4e: {  	_ =	shalt  }
0x4f: {  	_ =	shalt  }
0x50: {  	_ =	shalt  }
0x51: {  	_ =	shalt  }
0x52: {  	_ =	shalt  }
0x53: {  	_ =	shalt  }
0x54: {  	_ =	shalt  }
0x55: {  	_ =	shalt  }
0x56: {  	_ =	shalt  }
0x57: {  	_ =	shalt  }
0x58: {  	_ =	shalt  }
0x59: {  	_ =	shalt  }
0x5a: {  	_ =	shalt  }
0x5b: {  	_ =	shalt  }
0x5c: {  	_ =	shalt  }
0x5d: {  	_ =	shalt  }
0x5e: {  	_ =	shalt  }
0x5f: {  	_ =	shalt  }
0x60: {  	_ =	shalt  }
0x61: {  	_ =	shalt  }
0x62: {  	_ =	shalt  }
0x63: {  	_ =	shalt  }
0x64: {  	_ =	shalt  }
0x65: {  	_ =	shalt  }
0x66: {  	_ =	shalt  }
0x67: {  	_ =	shalt  }
0x68: {  	_ =	shalt  }
0x69: {  	_ =	shalt  }
0x6a: {  	_ =	shalt  }
0x6b: {  	_ =	shalt  }
0x6c: {  	_ =	shalt  }
0x6d: {  	_ =	shalt  }
0x6e: {  	_ =	shalt  }
0x6f: {  	_ =	shalt  }
0x70: {  	_ =	shalt  }
0x71: {  	_ =	shalt  }
0x72: {  	_ =	shalt  }
0x73: {  	_ =	shalt  }
0x74: {  	_ =	shalt  }
0x75: {  	_ =	shalt  }
0x76: {  	_ =	shalt  }
0x77: {  	_ =	shalt  }
0x78: {  	_ =	shalt  }
0x79: {  	_ =	shalt  }
0x7a: {  	_ =	shalt  }
0x7b: {  	_ =	shalt  }
0x7c: {  	_ =	shalt  }
0x7d: {  	_ =	shalt  }
0x7e: {  	_ =	shalt  }
0x7f: {  	_ =	shalt  }
0x80: {  	_ =	shalt  }
0x81: {  	_ =	shalt  }
0x82: {  	_ =	shalt  }
0x83: {  	_ =	shalt  }
0x84: {  	_ =	shalt  }
0x85: {  	_ =	shalt  }
0x86: {  	_ =	shalt  }
0x87: {  	_ =	shalt  }
.Lfunc_end0:
.L_simem_size_0:
called_computation.1_lowered:
.L_overlay_start_0:
0x88: {  	s2 =	sld [smem:$0x3FD9]  }
0x89: {  	s3 =	sld [smem:$0x3FFE];
	_ =	sdelay $0x1  }
0x8a: {  	s1 =	srdreg.scid  }
0x8b: {  	s0 =	sand.u32 $0x1, s1  }
0x8c: {  	s16 =	sshll.u32 s0, $0xA;
	s2 =	sadd.s32 s3, s2  }
0x8d: {  	s2 =	sadd.s32 s2, s16  }
0x8e: {  	[smem:$0x3FC6] =	sst s2  }
0x8f: {  	_ = 	snop  }
0x90: {  	(tm) =	ssettm $0x1  }
0x91: {  	s17 =	sld [smem:$0x3FFB];
	_ =	sdelay $0x3  }
0x92: {  	_ =	strace s17  }
0x93: {  	s2 =	sld [smem:$0x3FFC];
	_ =	sdelay $0x3  }
0x94: {  	_ =	strace s2  }
0x95: {  	s2 =	sld [smem:$0x3FFD];
	_ =	sdelay $0x3  }
0x96: {  	_ =	strace s2  }
0x97: {  	_ =	strace $0x8FFFFFFF  }
0x98: {  	s18 =	sld [smem:$0x3FDB];
	_ =	sdelay $0x1  }
0x99: {  	s19 =	simm.s32 $_scs_section_size  }
0x9a: {  	s4 =	simm.s32 $_size__tile_overlayer_lowered;
	s5 =	simm.s32 $_tile_overlayer_lowered  }
0x9b: {  	s22 =	simm.s32 $0x1BFF;
	s21 =	sshll.u32 s5, $0x1;
	s2 =	sadd.s32 s19, s18  }
0x9c: {  	s6 =	simm.s32 $0x0;
	s20 =	sshll.u32 s4, $0x1;
	s4 =	sadd.s32 s21, s2  }
0x9d: {  	[timem:s6], [sflag:s22] =	dma.local [hbm:s4], s20  }
0x9e: {  	_ =	swait.ge [sflag:s22], s20  }
0x9f: {  	s3 =	ssub.s32 $0x0, s20;
	[sflag:s22] =	ssyncset.done $0x0  }
0xa0: {  	[sflag:s22] =	ssyncadd.s32 s3;
	_ =	sdelay $0x1  }
0xa1: {  	s23 =	simm.s32 $0x1B8B  }
0xa2: {  	_ =	swait.ge [sflag:s23], $0x1  }
0xa3: {  	[sflag:s23] =	ssyncset.done $0x0  }
0xa4: {  	s25 =	simm.s32 $0x1B8E;
	s24 =	sld [smem:$0x3FFE];
	[sflag:s23] =	ssyncadd.s32 $0xFFFFFFFF  }
0xa5: {  	s26 =	simm.s32 $execute0_lowered;
	[smem:$0x3FD2] =	sst s25  }
0xa6: {  	s4 =	sshll.u32 s26, $0x1;
	_ =	strace $0x80000049;
	[dreg:$0x1] =	wrdreg $0xFFFFFFFF  }
0xa7: {  	s28 =	simm.s32 $_size_execute0_lowered;
	s2 =	sadd.s32 s2, s4;
	[dreg:$0x0] =	wrdreg $0x0  }
0xa8: {  	s4 =	sshll.u32 s28, $0x1;
	[dreg:$0x2] =	wrdreg s2  }
0xa9: {  	[dreg:$0x3] =	wrdreg s4  }
0xaa: {  	[dreg:$0x4] =	wrdreg $0xC0  }
0xab: {  	_ =	task [dreg:s6], $0x5FFFF  }
0xac: {  	[dreg:$0x1] =	wrdreg $0xFFFFFFFF  }
0xad: {  	[dreg:$0x0] =	wrdreg $0x60  }
0xae: {  	[dreg:$0x2] =	wrdreg s24  }
0xaf: {  	[dreg:$0x3] =	wrdreg $0x9  }
0xb0: {  	_ =	task.clear_ibuf [dreg:s6], $0x4FFFF;
	_ =	strace $0x90000049  }
0xb1: {  	s29 =	simm.s32 $0x9;
	_ =	strace $0x8000004B  }
0xb2: {  	_ =	swait.ge [sflag:s29], $0x1  }
0xb3: {  	[sflag:s29] =	ssyncadd.s32 $0xFFFFFFFF  }
0xb4: {  	_ =	strace $0x9000004B  }
0xb5: {  	_ =	sfence  }
0xb6: {  	s30 =	sld [smem:$0x0];
	_ =	sdelay $0x2  }
0xb7: {  	s31 =	sshll.u32 s1, $0xD;
	s1 =	sshrl.u32 s1, $0x2  }
0xb8: {  	s3 =	sand.u32 $0x4000, s31;
	s1 =	sadd.s32 s1, s30  }
0xb9: {  	s0 =	sor.u32 s3, s0;
	s1 =	sshll.u32 s1, $0x11  }
0xba: {  	s0 =	sor.u32 s1, s0  }
0xbb: {  	s0 =	sadd.s32 $0x8F2B, s0  }
0xbc: {  	[sflag:s0] =	ssyncadd.remote.s32 $0x1  }
0xbd: {  	_ =	sfence.sel $0xFFFF  }
0xbe: {  	[dreg:$0x0] =	wrdreg $0xFFFFFFFF;
	(pc) =	sbr.abs _section_cstart, $3  }
0xbf: {  	[dreg:$0x1] =	wrdreg $0xFFFFFFFF  }
0xc0: {  	_ =	task.clear_ibuf [dreg:s6], $0x2FFFF;
	_ =	strace $0x9FFFFFFF  }
0xc1: {  	(tm) =	ssettm $0x7FFFFFFF  }
tec
execute0_lowered:
.L_overlay_start_1:
0x0: {  	(tag) =	ssettag $0x1  }
0x1: {  	s0 =	srdreg.scid;
	s8 =	rddreg [dreg:$0x0]  }
0x2: {  	s2 =	simm.s32 $0x0;
	s4 =	simm.s32 $0x1;
	s16 =	simm.s32 $0x800  }
0x3: {  	s17 =	simm.s32 $0x40000;
	s18 =	simm.s32 $0x9800;
	s19 =	simm.s32 $0xA000  }
0x4: {  	s20 =	simm.s32 $0x13800;
	s21 =	simm.s32 $0x14000;
	s22 =	simm.s32 $0x2  }
0x5: {  	s23 =	simm.s32 $0x3;
	s24 =	simm.s32 $0x0;
	s5 =	sand.u32 $0x1, s0  }
0x6: {  	s0 =	stileid.u32;
	[smem:$0x7FF] =	sst s2;
	s3 =	sadd.s32 $0xC00, s8  }
0x7: {  	s1 =	sshll.u32 s5, $0x4;
	s7 =	sand.u32 $0x3, s0;
	_ =	strace $0x8000004A  }
0x8: {  	s10 =	ssub.s32 $0x2, s5;
	s6 =	sor.u32 s0, s1;
	p1 =	sne.s32 s7, $0x0  }
0x9: {  	s11 =	sshrl.u32 s10, $0x1;
	s13 =	sshll.u32 s7, $0x10;
	p0 =	seq.s32 s6, $0x0  }
0xa: {  	s9 =	sshrl.u32 s6, $0x2;
	s6 =	sshll.u32 s6, $0xB;
	p0 =	por !p1, !p0  }
0xb: {  	s15 =	ssub.s32 s10, s11;
	s30 =	sor.u32 $0x800, s13;
	p0 =	por !p0, !p0  }
0xc: {  	s14 =	sadd.s32 s6, s8;
	s6 =	simm.s32 $0x1;
	s4 =	simm.s32 @!p0 $0x0  }
0xd: {  	s15 =	smax.u32 s15, $0x1;
	s14 =	sadd.s32 $0x500C00, s14;
	s9 =	ssub.s32 s9, s4  }
0xe: {  	s4 =	sadd.s32 $0x4C0C00, s8;
	s5 =	smul.u32 $0x4C0000, s9;
	s7 =	sshll.u32 s9, $0x12  }
.Ltmp0:
0xf: {  	s9 =	sor.u32 s13, s7;
	s10 =	sor.u32 s30, s7;
	(pc) =	sbr.rel .LBB2_1-.Ltmp0, $4  }
0x10: {  	v0 =	vlaneseq.u32;
	s29 =	sor.u32 s13, s5;
	s9 =	sshrl.u32 s9, $0x3;
	s31 =	sor.u32 s30, s5  }
0x11: {  	v0 =	vmul.u32 $0x400, v0;
	s12 =	sshrl.u32 s10, $0x3;
	s8 =	sshrl.u32 s29, $0x3;
	s11 =	sshrl.u32 s31, $0x3  }
0x12: {  	v1 =	vimm.f32 $0.0e+00;
	s9 =	sadd.s32 s4, s9;
	s8 =	sadd.s32 s3, s8;
	s10 =	sadd.s32 s3, s11  }
0x13: {  	v2 =	vimm.s32 $0x0;
	v3 =	vimm.f32 $1.000000000e+00;
	v4 =	vor.u32 $0x260, v0;
	s11 =	sadd.s32 s4, s12;
	s12 =	sor.u32 $0x1000, s13;
	s13 =	sor.u32 $0x1800, s13  }
.LBB2_10:
0x14: {  	s24 =	sadd.s32 $0x1, s24  }
0x15: {  	p0 =	sne.s32 s24, s15  }
.Ltmp1:
0x16: {  	_ = 	snop;
	(pc) =	sbr.rel @!p0 .LBB2_11-.Ltmp1, $4  }
0x17: {  	[hbm4b:s14+s2] =	stream.linear.scatter [tilespmem:s21], [sflag:$0x3], $0x4000, $0x38;
	[tilespmem:$0x18000] =	vst v63  }
0x18: {  	_ =	swait.ge [sflag:s23], $0x4000  }
0x19: {  	[sflag:s23] =	ssyncset.done $0x0  }
0x1a: {  	[sflag:s23] =	ssyncadd.s32 $0xFFFFC000  }
.LBB2_1:
0x1b: {  	s25 =	simm.s32 $0x40;
	s26 =	simm.s32 $0x0  }
.LBB2_2:
0x1c: {  	p0 =	sne.s32 s25, $0xFFC0;
	[tilespmem:s26+$0x14000] =	vst v1;
	s26 =	smov.u32 s25;
	s25 =	sadd.s32 $0x40, s25  }
.Ltmp2:
0x1d: {  	(pc) =	sbr.rel @p0 .LBB2_2-.Ltmp2, $2  }
0x1e: {  	_ =	sdelay $0x2  }
0x1f: {  	s26 =	sshra.s32 s26, $0x2  }
0x20: {  	[tilespmem:s26+$0x14000] =	vst v1;
	s25 =	simm.s32 $0x0  }
0x21: {  	[tilespmem:s25], [sflag:$0x1] =	stream.strided.gather [hbm4b:s8+s16], $0x9800, s17, s16, $0x38;
	[tilespmem:$0x18000] =	vst v63  }
0x22: {  	_ = 	snop  }
0x23: {  	[tilespmem:s18], [sflag:$0x1] =	stream.linear.gather [hbm4b:s9+s25], $0x800, $0x38;
	[tilespmem:$0x18000] =	vst v63  }
0x24: {  	_ = 	snop  }
0x25: {  	[tilespmem:s19], [sflag:$0x2] =	stream.strided.gather [hbm4b:s10+s16], $0x9800, s17, s16, $0x38;
	[tilespmem:$0x18000] =	vst v63  }
0x26: {  	_ = 	snop  }
0x27: {  	[tilespmem:s20], [sflag:$0x2] =	stream.linear.gather [hbm4b:s11+s25], $0x800, $0x38;
	[tilespmem:$0x18000] =	vst v63  }
.LBB2_4:
0x28: {  	_ =	swait.ge [sflag:s6], $0x9800  }
0x29: {  	[sflag:s6] =	ssyncset.done $0x0  }
0x2a: {  	[sflag:s6] =	ssyncadd.s32 $0xFFFF6800  }
0x2b: {  	_ =	swait.ge [sflag:s6], $0x800  }
0x2c: {  	[sflag:s6] =	ssyncset.done $0x0  }
0x2d: {  	s26 =	simm.s32 $0x0;
	[sflag:s6] =	ssyncadd.s32 $0xFFFFF800  }
.LBB2_5:
0x2e: {  	s28 =	sshra.s32 s26, $0x2  }
0x2f: {  	v5 =	vld [tilespmem:s28+$0x0]  }
0x30: {  	v6 =	vld [tilespmem:s28+$0x800];
	_ =	sdelay $0x1  }
0x31: {  	v7 =	vld [tilespmem:s28+$0x1000];
	_ =	sdelay $0x1  }
0x32: {  	v8 =	vld [tilespmem:s28+$0x1800]  }
0x33: {  	vm0 =	vgt.f32 v6, v5  }
0x34: {  	v5 =	vsel vm0, v6, v5;
	v6 =	vld [tilespmem:s28+$0x2000]  }
0x35: {  	vm1 =	vgt.f32 v7, v5  }
0x36: {  	v5 =	vsel vm1, v7, v5;
	v7 =	vld [tilespmem:s28+$0x2800]  }
0x37: {  	vm2 =	vgt.f32 v8, v5  }
0x38: {  	v35 =	vld [tilespmem:s28+$0x3000];
	v5 =	vsel vm2, v8, v5  }
0x39: {  	vm3 =	vgt.f32 v6, v5  }
0x3a: {  	v5 =	vsel vm3, v6, v5;
	v6 =	vld [tilespmem:s28+$0x3800]  }
0x3b: {  	vm4 =	vgt.f32 v7, v5  }
0x3c: {  	v5 =	vsel vm4, v7, v5;
	v7 =	vld [tilespmem:s28+$0x4000]  }
0x3d: {  	vm5 =	vgt.f32 v35, v5  }
0x3e: {  	v36 =	vld [tilespmem:s28+$0x4800];
	v5 =	vsel vm5, v35, v5  }
0x3f: {  	vm6 =	vgt.f32 v6, v5  }
0x40: {  	v5 =	vsel vm6, v6, v5;
	v6 =	vld [tilespmem:s28+$0x5000]  }
0x41: {  	vm7 =	vgt.f32 v7, v5  }
0x42: {  	v5 =	vsel vm7, v7, v5;
	v7 =	vld [tilespmem:s28+$0x5800]  }
0x43: {  	vm8 =	vgt.f32 v36, v5  }
0x44: {  	v37 =	vld [tilespmem:s28+$0x6000];
	v5 =	vsel vm8, v36, v5  }
0x45: {  	v9 =	vsel vm0, $0x1, v2;
	vm11 =	vgt.f32 v6, v5  }
0x46: {  	v9 =	vsel vm1, $0x2, v9;
	v5 =	vsel vm11, v6, v5;
	v6 =	vld [tilespmem:s28+$0x6800]  }
0x47: {  	v9 =	vsel vm2, $0x3, v9;
	vm12 =	vgt.f32 v7, v5  }
0x48: {  	v9 =	vsel vm3, $0x4, v9;
	v5 =	vsel vm12, v7, v5;
	v7 =	vld [tilespmem:s28+$0x7000]  }
0x49: {  	v9 =	vsel vm4, $0x5, v9;
	vm13 =	vgt.f32 v37, v5  }
0x4a: {  	v38 =	vld [tilespmem:s28+$0x7800];
	v9 =	vsel vm5, $0x6, v9;
	v5 =	vsel vm13, v37, v5  }
0x4b: {  	v9 =	vsel vm6, $0x7, v9;
	vm14 =	vgt.f32 v6, v5  }
0x4c: {  	v9 =	vsel vm7, $0x8, v9;
	v5 =	vsel vm14, v6, v5;
	v6 =	vld [tilespmem:s28+$0x8000]  }
0x4d: {  	v9 =	vsel vm8, $0x9, v9;
	vm15 =	vgt.f32 v7, v5  }
0x4e: {  	v9 =	vsel vm11, $0xA, v9;
	v5 =	vsel vm15, v7, v5;
	v7 =	vld [tilespmem:s28+$0x8800]  }
0x4f: {  	v9 =	vsel vm12, $0xB, v9;
	vm8 =	vgt.f32 v38, v5  }
0x50: {  	v39 =	vld [tilespmem:s28+$0x9000];
	v9 =	vsel vm13, $0xC, v9;
	v5 =	vsel vm8, v38, v5  }
0x51: {  	v10 =	vld [tilespmem:s28+$0x9800];
	v9 =	vsel vm14, $0xD, v9;
	vm9 =	vgt.f32 v6, v5  }
0x52: {  	v9 =	vsel vm15, $0xE, v9;
	v5 =	vsel vm9, v6, v5  }
0x53: {  	v6 =	vsel vm8, $0xF, v9;
	vm10 =	vgt.f32 v7, v5  }
0x54: {  	v6 =	vsel vm9, $0x10, v6;
	v5 =	vsel vm10, v7, v5  }
0x55: {  	v6 =	vsel vm10, $0x11, v6;
	vm11 =	vgt.f32 v39, v5  }
0x56: {  	v5 =	vsel vm11, $0x12, v6;
	v6 =	vshll.u32 v10, $0x5  }
0x57: {  	v5 =	vadd.s32 v5, v6  }
0x58: {  	v5 =	vadd.s32 v0, v5  }
0x59: {  	v6 =	vadd.s32 v4, v10;
	_ =	sdelay $0x3  }
0x5a: {  	[tilespmem:v5+s21+$0x0] =	vst.idx.add.f32.msk $0xffff, v3  }
0x5b: {  	[tilespmem:v6+s21+$0x0] =	vst.idx.add.f32.msk $0xffff, v3  }
0x5c: {  	v5 =	vld [tilespmem:s28+$0x10]  }
0x5d: {  	v6 =	vld [tilespmem:s28+$0x810];
	_ =	sdelay $0x1  }
0x5e: {  	v7 =	vld [tilespmem:s28+$0x1010];
	_ =	sdelay $0x1  }
0x5f: {  	v40 =	vld [tilespmem:s28+$0x1810]  }
0x60: {  	vm0 =	vgt.f32 v6, v5  }
0x61: {  	v5 =	vsel vm0, v6, v5;
	v6 =	vld [tilespmem:s28+$0x2010]  }
0x62: {  	vm1 =	vgt.f32 v7, v5  }
0x63: {  	v5 =	vsel vm1, v7, v5;
	v7 =	vld [tilespmem:s28+$0x2810]  }
0x64: {  	vm12 =	vgt.f32 v40, v5  }
0x65: {  	v41 =	vld [tilespmem:s28+$0x3010];
	v5 =	vsel vm12, v40, v5  }
0x66: {  	vm3 =	vgt.f32 v6, v5  }
0x67: {  	v5 =	vsel vm3, v6, v5;
	v6 =	vld [tilespmem:s28+$0x3810]  }
0x68: {  	vm13 =	vgt.f32 v7, v5  }
0x69: {  	v5 =	vsel vm13, v7, v5;
	v7 =	vld [tilespmem:s28+$0x4010]  }
0x6a: {  	vm5 =	vgt.f32 v41, v5  }
0x6b: {  	v42 =	vld [tilespmem:s28+$0x4810];
	v5 =	vsel vm5, v41, v5  }
0x6c: {  	vm14 =	vgt.f32 v6, v5  }
0x6d: {  	v5 =	vsel vm14, v6, v5;
	v6 =	vld [tilespmem:s28+$0x5010]  }
0x6e: {  	vm7 =	vgt.f32 v7, v5  }
0x6f: {  	v5 =	vsel vm7, v7, v5;
	v7 =	vld [tilespmem:s28+$0x5810]  }
0x70: {  	vm15 =	vgt.f32 v42, v5  }
0x71: {  	v43 =	vld [tilespmem:s28+$0x6010];
	v5 =	vsel vm15, v42, v5  }
0x72: {  	v44 =	vsel vm0, $0x1, v2;
	vm11 =	vgt.f32 v6, v5  }
0x73: {  	v9 =	vsel vm1, $0x2, v44;
	v5 =	vsel vm11, v6, v5;
	v6 =	vld [tilespmem:s28+$0x6810]  }
0x74: {  	v9 =	vsel vm12, $0x3, v9;
	vm12 =	vgt.f32 v7, v5  }
0x75: {  	v9 =	vsel vm3, $0x4, v9;
	v5 =	vsel vm12, v7, v5;
	v7 =	vld [tilespmem:s28+$0x7010]  }
0x76: {  	v9 =	vsel vm13, $0x5, v9;
	vm13 =	vgt.f32 v43, v5  }
0x77: {  	v45 =	vld [tilespmem:s28+$0x7810];
	v9 =	vsel vm5, $0x6, v9;
	v5 =	vsel vm13, v43, v5  }
0x78: {  	v9 =	vsel vm14, $0x7, v9;
	vm14 =	vgt.f32 v6, v5  }
0x79: {  	v9 =	vsel vm7, $0x8, v9;
	v5 =	vsel vm14, v6, v5;
	v6 =	vld [tilespmem:s28+$0x8010]  }
0x7a: {  	v9 =	vsel vm15, $0x9, v9;
	vm15 =	vgt.f32 v7, v5  }
0x7b: {  	v9 =	vsel vm11, $0xA, v9;
	v5 =	vsel vm15, v7, v5;
	v7 =	vld [tilespmem:s28+$0x8810]  }
0x7c: {  	v9 =	vsel vm12, $0xB, v9;
	vm8 =	vgt.f32 v45, v5  }
0x7d: {  	v46 =	vld [tilespmem:s28+$0x9010];
	v9 =	vsel vm13, $0xC, v9;
	v5 =	vsel vm8, v45, v5  }
0x7e: {  	v47 =	vld [tilespmem:s28+$0x9810];
	v9 =	vsel vm14, $0xD, v9;
	vm9 =	vgt.f32 v6, v5  }
0x7f: {  	v9 =	vsel vm15, $0xE, v9;
	v5 =	vsel vm9, v6, v5  }
0x80: {  	v6 =	vsel vm8, $0xF, v9;
	vm10 =	vgt.f32 v7, v5  }
0x81: {  	v6 =	vsel vm9, $0x10, v6;
	v5 =	vsel vm10, v7, v5  }
0x82: {  	v6 =	vsel vm10, $0x11, v6;
	vm11 =	vgt.f32 v46, v5  }
0x83: {  	v5 =	vsel vm11, $0x12, v6;
	v6 =	vshll.u32 v47, $0x5  }
0x84: {  	v5 =	vadd.s32 v5, v6  }
0x85: {  	v5 =	vadd.s32 v0, v5  }
0x86: {  	v6 =	vadd.s32 v4, v47;
	_ =	sdelay $0x3  }
0x87: {  	[tilespmem:v5+s21+$0x0] =	vst.idx.add.f32.msk $0xffff, v3  }
0x88: {  	[tilespmem:v6+s21+$0x0] =	vst.idx.add.f32.msk $0xffff, v3  }
0x89: {  	v5 =	vld [tilespmem:s28+$0x20]  }
0x8a: {  	v6 =	vld [tilespmem:s28+$0x820];
	_ =	sdelay $0x1  }
0x8b: {  	v7 =	vld [tilespmem:s28+$0x1020];
	_ =	sdelay $0x1  }
0x8c: {  	v48 =	vld [tilespmem:s28+$0x1820]  }
0x8d: {  	vm12 =	vgt.f32 v6, v5  }
0x8e: {  	v5 =	vsel vm12, v6, v5;
	v6 =	vld [tilespmem:s28+$0x2020]  }
0x8f: {  	vm1 =	vgt.f32 v7, v5  }
0x90: {  	v5 =	vsel vm1, v7, v5;
	v7 =	vld [tilespmem:s28+$0x2820]  }
0x91: {  	vm13 =	vgt.f32 v48, v5  }
0x92: {  	v49 =	vld [tilespmem:s28+$0x3020];
	v5 =	vsel vm13, v48, v5  }
0x93: {  	vm3 =	vgt.f32 v6, v5  }
0x94: {  	v5 =	vsel vm3, v6, v5;
	v6 =	vld [tilespmem:s28+$0x3820]  }
0x95: {  	vm14 =	vgt.f32 v7, v5  }
0x96: {  	v5 =	vsel vm14, v7, v5;
	v7 =	vld [tilespmem:s28+$0x4020]  }
0x97: {  	vm5 =	vgt.f32 v49, v5  }
0x98: {  	v50 =	vld [tilespmem:s28+$0x4820];
	v5 =	vsel vm5, v49, v5  }
0x99: {  	vm15 =	vgt.f32 v6, v5  }
0x9a: {  	v5 =	vsel vm15, v6, v5;
	v6 =	vld [tilespmem:s28+$0x5020]  }
0x9b: {  	vm7 =	vgt.f32 v7, v5  }
0x9c: {  	v5 =	vsel vm7, v7, v5;
	v7 =	vld [tilespmem:s28+$0x5820]  }
0x9d: {  	vm8 =	vgt.f32 v50, v5  }
0x9e: {  	v51 =	vld [tilespmem:s28+$0x6020];
	v5 =	vsel vm8, v50, v5  }
0x9f: {  	v52 =	vsel vm12, $0x1, v2;
	vm12 =	vgt.f32 v6, v5  }
0xa0: {  	v9 =	vsel vm1, $0x2, v52;
	v5 =	vsel vm12, v6, v5;
	v6 =	vld [tilespmem:s28+$0x6820]  }
0xa1: {  	v9 =	vsel vm13, $0x3, v9;
	vm13 =	vgt.f32 v7, v5  }
0xa2: {  	v9 =	vsel vm3, $0x4, v9;
	v5 =	vsel vm13, v7, v5;
	v7 =	vld [tilespmem:s28+$0x7020]  }
0xa3: {  	v9 =	vsel vm14, $0x5, v9;
	vm14 =	vgt.f32 v51, v5  }
0xa4: {  	v53 =	vld [tilespmem:s28+$0x7820];
	v9 =	vsel vm5, $0x6, v9;
	v5 =	vsel vm14, v51, v5  }
0xa5: {  	v9 =	vsel vm15, $0x7, v9;
	vm15 =	vgt.f32 v6, v5  }
0xa6: {  	v9 =	vsel vm7, $0x8, v9;
	v5 =	vsel vm15, v6, v5;
	v6 =	vld [tilespmem:s28+$0x8020]  }
0xa7: {  	v9 =	vsel vm8, $0x9, v9;
	vm9 =	vgt.f32 v7, v5  }
0xa8: {  	v9 =	vsel vm12, $0xA, v9;
	v5 =	vsel vm9, v7, v5;
	v7 =	vld [tilespmem:s28+$0x8820]  }
0xa9: {  	v9 =	vsel vm13, $0xB, v9;
	vm10 =	vgt.f32 v53, v5  }
0xaa: {  	v54 =	vld [tilespmem:s28+$0x9020];
	v9 =	vsel vm14, $0xC, v9;
	v5 =	vsel vm10, v53, v5  }
0xab: {  	v55 =	vld [tilespmem:s28+$0x9820];
	v9 =	vsel vm15, $0xD, v9;
	vm11 =	vgt.f32 v6, v5  }
0xac: {  	v9 =	vsel vm9, $0xE, v9;
	v5 =	vsel vm11, v6, v5  }
0xad: {  	v6 =	vsel vm10, $0xF, v9;
	vm12 =	vgt.f32 v7, v5  }
0xae: {  	v6 =	vsel vm11, $0x10, v6;
	v5 =	vsel vm12, v7, v5  }
0xaf: {  	v6 =	vsel vm12, $0x11, v6;
	vm13 =	vgt.f32 v54, v5  }
0xb0: {  	v5 =	vsel vm13, $0x12, v6;
	v6 =	vshll.u32 v55, $0x5  }
0xb1: {  	v5 =	vadd.s32 v5, v6  }
0xb2: {  	v5 =	vadd.s32 v0, v5  }
0xb3: {  	v6 =	vadd.s32 v4, v55;
	_ =	sdelay $0x3  }
0xb4: {  	[tilespmem:v5+s21+$0x0] =	vst.idx.add.f32.msk $0xffff, v3  }
0xb5: {  	[tilespmem:v6+s21+$0x0] =	vst.idx.add.f32.msk $0xffff, v3  }
0xb6: {  	v5 =	vld [tilespmem:s28+$0x30]  }
0xb7: {  	v6 =	vld [tilespmem:s28+$0x830];
	_ =	sdelay $0x1  }
0xb8: {  	v7 =	vld [tilespmem:s28+$0x1030];
	_ =	sdelay $0x1  }
0xb9: {  	v56 =	vld [tilespmem:s28+$0x1830]  }
0xba: {  	vm14 =	vgt.f32 v6, v5  }
0xbb: {  	v5 =	vsel vm14, v6, v5;
	v6 =	vld [tilespmem:s28+$0x2030]  }
0xbc: {  	vm1 =	vgt.f32 v7, v5  }
0xbd: {  	v5 =	vsel vm1, v7, v5;
	v7 =	vld [tilespmem:s28+$0x2830]  }
0xbe: {  	vm15 =	vgt.f32 v56, v5  }
0xbf: {  	v57 =	vld [tilespmem:s28+$0x3030];
	v5 =	vsel vm15, v56, v5  }
0xc0: {  	vm3 =	vgt.f32 v6, v5  }
0xc1: {  	v5 =	vsel vm3, v6, v5;
	v6 =	vld [tilespmem:s28+$0x3830]  }
0xc2: {  	vm4 =	vgt.f32 v7, v5  }
0xc3: {  	v5 =	vsel vm4, v7, v5;
	v7 =	vld [tilespmem:s28+$0x4030]  }
0xc4: {  	vm5 =	vgt.f32 v57, v5  }
0xc5: {  	v58 =	vld [tilespmem:s28+$0x4830];
	v5 =	vsel vm5, v57, v5  }
0xc6: {  	vm6 =	vgt.f32 v6, v5  }
0xc7: {  	v5 =	vsel vm6, v6, v5;
	v6 =	vld [tilespmem:s28+$0x5030]  }
0xc8: {  	vm12 =	vgt.f32 v7, v5  }
0xc9: {  	v5 =	vsel vm12, v7, v5;
	v7 =	vld [tilespmem:s28+$0x5830]  }
0xca: {  	vm13 =	vgt.f32 v58, v5  }
0xcb: {  	v59 =	vld [tilespmem:s28+$0x6030];
	v5 =	vsel vm13, v58, v5  }
0xcc: {  	v60 =	vsel vm14, $0x1, v2;
	vm14 =	vgt.f32 v6, v5  }
0xcd: {  	v9 =	vsel vm1, $0x2, v60;
	v5 =	vsel vm14, v6, v5;
	v6 =	vld [tilespmem:s28+$0x6830]  }
0xce: {  	v9 =	vsel vm15, $0x3, v9;
	vm15 =	vgt.f32 v7, v5  }
0xcf: {  	v9 =	vsel vm3, $0x4, v9;
	v5 =	vsel vm15, v7, v5;
	v7 =	vld [tilespmem:s28+$0x7030]  }
0xd0: {  	v9 =	vsel vm4, $0x5, v9;
	vm9 =	vgt.f32 v59, v5  }
0xd1: {  	v61 =	vld [tilespmem:s28+$0x7830];
	v9 =	vsel vm5, $0x6, v9;
	v5 =	vsel vm9, v59, v5  }
0xd2: {  	v9 =	vsel vm6, $0x7, v9;
	vm10 =	vgt.f32 v6, v5  }
0xd3: {  	v9 =	vsel vm12, $0x8, v9;
	v5 =	vsel vm10, v6, v5;
	v6 =	vld [tilespmem:s28+$0x8030]  }
0xd4: {  	v9 =	vsel vm13, $0x9, v9;
	vm11 =	vgt.f32 v7, v5  }
0xd5: {  	v9 =	vsel vm14, $0xA, v9;
	v5 =	vsel vm11, v7, v5;
	v7 =	vld [tilespmem:s28+$0x8830]  }
0xd6: {  	v9 =	vsel vm15, $0xB, v9;
	vm12 =	vgt.f32 v61, v5  }
0xd7: {  	v62 =	vld [tilespmem:s28+$0x9030];
	v9 =	vsel vm9, $0xC, v9;
	v5 =	vsel vm12, v61, v5  }
0xd8: {  	v63 =	vld [tilespmem:s28+$0x9830];
	v9 =	vsel vm10, $0xD, v9;
	vm13 =	vgt.f32 v6, v5  }
0xd9: {  	v9 =	vsel vm11, $0xE, v9;
	v5 =	vsel vm13, v6, v5  }
0xda: {  	v6 =	vsel vm12, $0xF, v9;
	vm14 =	vgt.f32 v7, v5  }
0xdb: {  	v6 =	vsel vm13, $0x10, v6;
	v5 =	vsel vm14, v7, v5  }
0xdc: {  	v6 =	vsel vm14, $0x11, v6;
	vm15 =	vgt.f32 v62, v5  }
0xdd: {  	v5 =	vsel vm15, $0x12, v6;
	v6 =	vshll.u32 v63, $0x5  }
0xde: {  	v5 =	vadd.s32 v5, v6  }
0xdf: {  	v5 =	vadd.s32 v0, v5  }
0xe0: {  	p0 =	sne.s32 s26, $0x1F00;
	v6 =	vadd.s32 v4, v63  }
.Ltmp3:
0xe1: {  	_ = 	snop;
	(pc) =	sbr.rel @p0 .LBB2_5-.Ltmp3, $3  }
0xe2: {  	_ =	sdelay $0x1  }
0xe3: {  	[tilespmem:v5+s21+$0x0] =	vst.idx.add.f32.msk $0xffff, v3  }
0xe4: {  	s26 =	sadd.s32 $0x100, s26;
	[tilespmem:v6+s21+$0x0] =	vst.idx.add.f32.msk $0xffff, v3  }
0xe5: {  	s26 =	sshll.u32 s25, $0xC;
	p0 =	seq.s32 s25, $0xF  }
0xe6: {  	s28 =	sadd.s32 @!p0 s26, s12  }
0xe7: {  	s30 =	simm.s32 @!p0 $0x800;
	s29 =	sadd.s32 @!p0 s5, s28  }
0xe8: {  	s31 =	simm.s32 @!p0 $0x40000;
	s28 =	sadd.s32 @!p0 s7, s28;
	s29 =	sshrl.u32 @!p0 s29, $0x3  }
0xe9: {  	s1 =	simm.s32 @!p0 $0x0;
	s28 =	sshrl.u32 @!p0 s28, $0x3;
	s29 =	sadd.s32 @!p0 s3, s29  }
0xea: {  	[tilespmem:s1], [sflag:$0x1] =	stream.strided.gather @!p0 [hbm4b:s29+s30], $0x9800, s31, s30, $0x38;
	[tilespmem:$0x18000] =	vst v63  }
0xeb: {  	s28 =	sadd.s32 @!p0 s4, s28;
	s29 =	simm.s32 @!p0 $0x9800  }
0xec: {  	[tilespmem:s29], [sflag:$0x1] =	stream.linear.gather @!p0 [hbm4b:s28+s1], $0x800, $0x38;
	[tilespmem:$0x18000] =	vst v63  }
0xed: {  	_ =	swait.ge [sflag:s22], $0x9800  }
0xee: {  	[sflag:s22] =	ssyncset.done $0x0  }
0xef: {  	[sflag:s22] =	ssyncadd.s32 $0xFFFF6800  }
0xf0: {  	_ =	swait.ge [sflag:s22], $0x800  }
0xf1: {  	[sflag:s22] =	ssyncset.done $0x0  }
0xf2: {  	s28 =	simm.s32 $0x0;
	[sflag:s22] =	ssyncadd.s32 $0xFFFFF800  }
.LBB2_7:
0xf3: {  	s29 =	sshra.s32 s28, $0x2  }
0xf4: {  	v5 =	vld [tilespmem:s29+$0xA000]  }
0xf5: {  	v6 =	vld [tilespmem:s29+$0xA800];
	_ =	sdelay $0x1  }
0xf6: {  	v7 =	vld [tilespmem:s29+$0xB000];
	_ =	sdelay $0x1  }
0xf7: {  	v8 =	vld [tilespmem:s29+$0xB800]  }
0xf8: {  	vm0 =	vgt.f32 v6, v5  }
0xf9: {  	v5 =	vsel vm0, v6, v5;
	v6 =	vld [tilespmem:s29+$0xC000]  }
0xfa: {  	vm1 =	vgt.f32 v7, v5  }
0xfb: {  	v5 =	vsel vm1, v7, v5;
	v7 =	vld [tilespmem:s29+$0xC800]  }
0xfc: {  	vm2 =	vgt.f32 v8, v5  }
0xfd: {  	v35 =	vld [tilespmem:s29+$0xD000];
	v5 =	vsel vm2, v8, v5  }
0xfe: {  	vm3 =	vgt.f32 v6, v5  }
0xff: {  	v5 =	vsel vm3, v6, v5;
	v6 =	vld [tilespmem:s29+$0xD800]  }
0x100: {  	vm4 =	vgt.f32 v7, v5  }
0x101: {  	v5 =	vsel vm4, v7, v5;
	v7 =	vld [tilespmem:s29+$0xE000]  }
0x102: {  	vm5 =	vgt.f32 v35, v5  }
0x103: {  	v36 =	vld [tilespmem:s29+$0xE800];
	v5 =	vsel vm5, v35, v5  }
0x104: {  	vm6 =	vgt.f32 v6, v5  }
0x105: {  	v5 =	vsel vm6, v6, v5;
	v6 =	vld [tilespmem:s29+$0xF000]  }
0x106: {  	vm7 =	vgt.f32 v7, v5  }
0x107: {  	v5 =	vsel vm7, v7, v5;
	v7 =	vld [tilespmem:s29+$0xF800]  }
0x108: {  	vm8 =	vgt.f32 v36, v5  }
0x109: {  	v37 =	vld [tilespmem:s29+$0x10000];
	v5 =	vsel vm8, v36, v5  }
0x10a: {  	v9 =	vsel vm0, $0x1, v2;
	vm11 =	vgt.f32 v6, v5  }
0x10b: {  	v9 =	vsel vm1, $0x2, v9;
	v5 =	vsel vm11, v6, v5;
	v6 =	vld [tilespmem:s29+$0x10800]  }
0x10c: {  	v9 =	vsel vm2, $0x3, v9;
	vm12 =	vgt.f32 v7, v5  }
0x10d: {  	v9 =	vsel vm3, $0x4, v9;
	v5 =	vsel vm12, v7, v5;
	v7 =	vld [tilespmem:s29+$0x11000]  }
0x10e: {  	v9 =	vsel vm4, $0x5, v9;
	vm13 =	vgt.f32 v37, v5  }
0x10f: {  	v38 =	vld [tilespmem:s29+$0x11800];
	v9 =	vsel vm5, $0x6, v9;
	v5 =	vsel vm13, v37, v5  }
0x110: {  	v9 =	vsel vm6, $0x7, v9;
	vm14 =	vgt.f32 v6, v5  }
0x111: {  	v9 =	vsel vm7, $0x8, v9;
	v5 =	vsel vm14, v6, v5;
	v6 =	vld [tilespmem:s29+$0x12000]  }
0x112: {  	v9 =	vsel vm8, $0x9, v9;
	vm15 =	vgt.f32 v7, v5  }
0x113: {  	v9 =	vsel vm11, $0xA, v9;
	v5 =	vsel vm15, v7, v5;
	v7 =	vld [tilespmem:s29+$0x12800]  }
0x114: {  	v9 =	vsel vm12, $0xB, v9;
	vm8 =	vgt.f32 v38, v5  }
0x115: {  	v39 =	vld [tilespmem:s29+$0x13000];
	v9 =	vsel vm13, $0xC, v9;
	v5 =	vsel vm8, v38, v5  }
0x116: {  	v10 =	vld [tilespmem:s29+$0x13800];
	v9 =	vsel vm14, $0xD, v9;
	vm9 =	vgt.f32 v6, v5  }
0x117: {  	v9 =	vsel vm15, $0xE, v9;
	v5 =	vsel vm9, v6, v5  }
0x118: {  	v6 =	vsel vm8, $0xF, v9;
	vm10 =	vgt.f32 v7, v5  }
0x119: {  	v6 =	vsel vm9, $0x10, v6;
	v5 =	vsel vm10, v7, v5  }
0x11a: {  	v6 =	vsel vm10, $0x11, v6;
	vm11 =	vgt.f32 v39, v5  }
0x11b: {  	v5 =	vsel vm11, $0x12, v6;
	v6 =	vshll.u32 v10, $0x5  }
0x11c: {  	v5 =	vadd.s32 v5, v6  }
0x11d: {  	v5 =	vadd.s32 v0, v5  }
0x11e: {  	v6 =	vadd.s32 v4, v10;
	_ =	sdelay $0x3  }
0x11f: {  	[tilespmem:v5+s21+$0x0] =	vst.idx.add.f32.msk $0xffff, v3  }
0x120: {  	[tilespmem:v6+s21+$0x0] =	vst.idx.add.f32.msk $0xffff, v3  }
0x121: {  	v5 =	vld [tilespmem:s29+$0xA010]  }
0x122: {  	v6 =	vld [tilespmem:s29+$0xA810];
	_ =	sdelay $0x1  }
0x123: {  	v7 =	vld [tilespmem:s29+$0xB010];
	_ =	sdelay $0x1  }
0x124: {  	v40 =	vld [tilespmem:s29+$0xB810]  }
0x125: {  	vm0 =	vgt.f32 v6, v5  }
0x126: {  	v5 =	vsel vm0, v6, v5;
	v6 =	vld [tilespmem:s29+$0xC010]  }
0x127: {  	vm1 =	vgt.f32 v7, v5  }
0x128: {  	v5 =	vsel vm1, v7, v5;
	v7 =	vld [tilespmem:s29+$0xC810]  }
0x129: {  	vm12 =	vgt.f32 v40, v5  }
0x12a: {  	v41 =	vld [tilespmem:s29+$0xD010];
	v5 =	vsel vm12, v40, v5  }
0x12b: {  	vm3 =	vgt.f32 v6, v5  }
0x12c: {  	v5 =	vsel vm3, v6, v5;
	v6 =	vld [tilespmem:s29+$0xD810]  }
0x12d: {  	vm13 =	vgt.f32 v7, v5  }
0x12e: {  	v5 =	vsel vm13, v7, v5;
	v7 =	vld [tilespmem:s29+$0xE010]  }
0x12f: {  	vm5 =	vgt.f32 v41, v5  }
0x130: {  	v42 =	vld [tilespmem:s29+$0xE810];
	v5 =	vsel vm5, v41, v5  }
0x131: {  	vm14 =	vgt.f32 v6, v5  }
0x132: {  	v5 =	vsel vm14, v6, v5;
	v6 =	vld [tilespmem:s29+$0xF010]  }
0x133: {  	vm7 =	vgt.f32 v7, v5  }
0x134: {  	v5 =	vsel vm7, v7, v5;
	v7 =	vld [tilespmem:s29+$0xF810]  }
0x135: {  	vm15 =	vgt.f32 v42, v5  }
0x136: {  	v43 =	vld [tilespmem:s29+$0x10010];
	v5 =	vsel vm15, v42, v5  }
0x137: {  	v44 =	vsel vm0, $0x1, v2;
	vm11 =	vgt.f32 v6, v5  }
0x138: {  	v9 =	vsel vm1, $0x2, v44;
	v5 =	vsel vm11, v6, v5;
	v6 =	vld [tilespmem:s29+$0x10810]  }
0x139: {  	v9 =	vsel vm12, $0x3, v9;
	vm12 =	vgt.f32 v7, v5  }
0x13a: {  	v9 =	vsel vm3, $0x4, v9;
	v5 =	vsel vm12, v7, v5;
	v7 =	vld [tilespmem:s29+$0x11010]  }
0x13b: {  	v9 =	vsel vm13, $0x5, v9;
	vm13 =	vgt.f32 v43, v5  }
0x13c: {  	v45 =	vld [tilespmem:s29+$0x11810];
	v9 =	vsel vm5, $0x6, v9;
	v5 =	vsel vm13, v43, v5  }
0x13d: {  	v9 =	vsel vm14, $0x7, v9;
	vm14 =	vgt.f32 v6, v5  }
0x13e: {  	v9 =	vsel vm7, $0x8, v9;
	v5 =	vsel vm14, v6, v5;
	v6 =	vld [tilespmem:s29+$0x12010]  }
0x13f: {  	v9 =	vsel vm15, $0x9, v9;
	vm15 =	vgt.f32 v7, v5  }
0x140: {  	v9 =	vsel vm11, $0xA, v9;
	v5 =	vsel vm15, v7, v5;
	v7 =	vld [tilespmem:s29+$0x12810]  }
0x141: {  	v9 =	vsel vm12, $0xB, v9;
	vm8 =	vgt.f32 v45, v5  }
0x142: {  	v46 =	vld [tilespmem:s29+$0x13010];
	v9 =	vsel vm13, $0xC, v9;
	v5 =	vsel vm8, v45, v5  }
0x143: {  	v47 =	vld [tilespmem:s29+$0x13810];
	v9 =	vsel vm14, $0xD, v9;
	vm9 =	vgt.f32 v6, v5  }
0x144: {  	v9 =	vsel vm15, $0xE, v9;
	v5 =	vsel vm9, v6, v5  }
0x145: {  	v6 =	vsel vm8, $0xF, v9;
	vm10 =	vgt.f32 v7, v5  }
0x146: {  	v6 =	vsel vm9, $0x10, v6;
	v5 =	vsel vm10, v7, v5  }
0x147: {  	v6 =	vsel vm10, $0x11, v6;
	vm11 =	vgt.f32 v46, v5  }
0x148: {  	v5 =	vsel vm11, $0x12, v6;
	v6 =	vshll.u32 v47, $0x5  }
0x149: {  	v5 =	vadd.s32 v5, v6  }
0x14a: {  	v5 =	vadd.s32 v0, v5  }
0x14b: {  	v6 =	vadd.s32 v4, v47;
	_ =	sdelay $0x3  }
0x14c: {  	[tilespmem:v5+s21+$0x0] =	vst.idx.add.f32.msk $0xffff, v3  }
0x14d: {  	[tilespmem:v6+s21+$0x0] =	vst.idx.add.f32.msk $0xffff, v3  }
0x14e: {  	v5 =	vld [tilespmem:s29+$0xA020]  }
0x14f: {  	v6 =	vld [tilespmem:s29+$0xA820];
	_ =	sdelay $0x1  }
0x150: {  	v7 =	vld [tilespmem:s29+$0xB020];
	_ =	sdelay $0x1  }
0x151: {  	v48 =	vld [tilespmem:s29+$0xB820]  }
0x152: {  	vm12 =	vgt.f32 v6, v5  }
0x153: {  	v5 =	vsel vm12, v6, v5;
	v6 =	vld [tilespmem:s29+$0xC020]  }
0x154: {  	vm1 =	vgt.f32 v7, v5  }
0x155: {  	v5 =	vsel vm1, v7, v5;
	v7 =	vld [tilespmem:s29+$0xC820]  }
0x156: {  	vm13 =	vgt.f32 v48, v5  }
0x157: {  	v49 =	vld [tilespmem:s29+$0xD020];
	v5 =	vsel vm13, v48, v5  }
0x158: {  	vm3 =	vgt.f32 v6, v5  }
0x159: {  	v5 =	vsel vm3, v6, v5;
	v6 =	vld [tilespmem:s29+$0xD820]  }
0x15a: {  	vm14 =	vgt.f32 v7, v5  }
0x15b: {  	v5 =	vsel vm14, v7, v5;
	v7 =	vld [tilespmem:s29+$0xE020]  }
0x15c: {  	vm5 =	vgt.f32 v49, v5  }
0x15d: {  	v50 =	vld [tilespmem:s29+$0xE820];
	v5 =	vsel vm5, v49, v5  }
0x15e: {  	vm15 =	vgt.f32 v6, v5  }
0x15f: {  	v5 =	vsel vm15, v6, v5;
	v6 =	vld [tilespmem:s29+$0xF020]  }
0x160: {  	vm7 =	vgt.f32 v7, v5  }
0x161: {  	v5 =	vsel vm7, v7, v5;
	v7 =	vld [tilespmem:s29+$0xF820]  }
0x162: {  	vm8 =	vgt.f32 v50, v5  }
0x163: {  	v51 =	vld [tilespmem:s29+$0x10020];
	v5 =	vsel vm8, v50, v5  }
0x164: {  	v52 =	vsel vm12, $0x1, v2;
	vm12 =	vgt.f32 v6, v5  }
0x165: {  	v9 =	vsel vm1, $0x2, v52;
	v5 =	vsel vm12, v6, v5;
	v6 =	vld [tilespmem:s29+$0x10820]  }
0x166: {  	v9 =	vsel vm13, $0x3, v9;
	vm13 =	vgt.f32 v7, v5  }
0x167: {  	v9 =	vsel vm3, $0x4, v9;
	v5 =	vsel vm13, v7, v5;
	v7 =	vld [tilespmem:s29+$0x11020]  }
0x168: {  	v9 =	vsel vm14, $0x5, v9;
	vm14 =	vgt.f32 v51, v5  }
0x169: {  	v53 =	vld [tilespmem:s29+$0x11820];
	v9 =	vsel vm5, $0x6, v9;
	v5 =	vsel vm14, v51, v5  }
0x16a: {  	v9 =	vsel vm15, $0x7, v9;
	vm15 =	vgt.f32 v6, v5  }
0x16b: {  	v9 =	vsel vm7, $0x8, v9;
	v5 =	vsel vm15, v6, v5;
	v6 =	vld [tilespmem:s29+$0x12020]  }
0x16c: {  	v9 =	vsel vm8, $0x9, v9;
	vm9 =	vgt.f32 v7, v5  }
0x16d: {  	v9 =	vsel vm12, $0xA, v9;
	v5 =	vsel vm9, v7, v5;
	v7 =	vld [tilespmem:s29+$0x12820]  }
0x16e: {  	v9 =	vsel vm13, $0xB, v9;
	vm10 =	vgt.f32 v53, v5  }
0x16f: {  	v54 =	vld [tilespmem:s29+$0x13020];
	v9 =	vsel vm14, $0xC, v9;
	v5 =	vsel vm10, v53, v5  }
0x170: {  	v55 =	vld [tilespmem:s29+$0x13820];
	v9 =	vsel vm15, $0xD, v9;
	vm11 =	vgt.f32 v6, v5  }
0x171: {  	v9 =	vsel vm9, $0xE, v9;
	v5 =	vsel vm11, v6, v5  }
0x172: {  	v6 =	vsel vm10, $0xF, v9;
	vm12 =	vgt.f32 v7, v5  }
0x173: {  	v6 =	vsel vm11, $0x10, v6;
	v5 =	vsel vm12, v7, v5  }
0x174: {  	v6 =	vsel vm12, $0x11, v6;
	vm13 =	vgt.f32 v54, v5  }
0x175: {  	v5 =	vsel vm13, $0x12, v6;
	v6 =	vshll.u32 v55, $0x5  }
0x176: {  	v5 =	vadd.s32 v5, v6  }
0x177: {  	v5 =	vadd.s32 v0, v5  }
0x178: {  	v6 =	vadd.s32 v4, v55;
	_ =	sdelay $0x3  }
0x179: {  	[tilespmem:v5+s21+$0x0] =	vst.idx.add.f32.msk $0xffff, v3  }
0x17a: {  	[tilespmem:v6+s21+$0x0] =	vst.idx.add.f32.msk $0xffff, v3  }
0x17b: {  	v5 =	vld [tilespmem:s29+$0xA030]  }
0x17c: {  	v6 =	vld [tilespmem:s29+$0xA830];
	_ =	sdelay $0x1  }
0x17d: {  	v7 =	vld [tilespmem:s29+$0xB030];
	_ =	sdelay $0x1  }
0x17e: {  	v56 =	vld [tilespmem:s29+$0xB830]  }
0x17f: {  	vm14 =	vgt.f32 v6, v5  }
0x180: {  	v5 =	vsel vm14, v6, v5;
	v6 =	vld [tilespmem:s29+$0xC030]  }
0x181: {  	vm1 =	vgt.f32 v7, v5  }
0x182: {  	v5 =	vsel vm1, v7, v5;
	v7 =	vld [tilespmem:s29+$0xC830]  }
0x183: {  	vm15 =	vgt.f32 v56, v5  }
0x184: {  	v57 =	vld [tilespmem:s29+$0xD030];
	v5 =	vsel vm15, v56, v5  }
0x185: {  	vm3 =	vgt.f32 v6, v5  }
0x186: {  	v5 =	vsel vm3, v6, v5;
	v6 =	vld [tilespmem:s29+$0xD830]  }
0x187: {  	vm4 =	vgt.f32 v7, v5  }
0x188: {  	v5 =	vsel vm4, v7, v5;
	v7 =	vld [tilespmem:s29+$0xE030]  }
0x189: {  	vm5 =	vgt.f32 v57, v5  }
0x18a: {  	v58 =	vld [tilespmem:s29+$0xE830];
	v5 =	vsel vm5, v57, v5  }
0x18b: {  	vm6 =	vgt.f32 v6, v5  }
0x18c: {  	v5 =	vsel vm6, v6, v5;
	v6 =	vld [tilespmem:s29+$0xF030]  }
0x18d: {  	vm12 =	vgt.f32 v7, v5  }
0x18e: {  	v5 =	vsel vm12, v7, v5;
	v7 =	vld [tilespmem:s29+$0xF830]  }
0x18f: {  	vm13 =	vgt.f32 v58, v5  }
0x190: {  	v59 =	vld [tilespmem:s29+$0x10030];
	v5 =	vsel vm13, v58, v5  }
0x191: {  	v60 =	vsel vm14, $0x1, v2;
	vm14 =	vgt.f32 v6, v5  }
0x192: {  	v9 =	vsel vm1, $0x2, v60;
	v5 =	vsel vm14, v6, v5;
	v6 =	vld [tilespmem:s29+$0x10830]  }
0x193: {  	v9 =	vsel vm15, $0x3, v9;
	vm15 =	vgt.f32 v7, v5  }
0x194: {  	v9 =	vsel vm3, $0x4, v9;
	v5 =	vsel vm15, v7, v5;
	v7 =	vld [tilespmem:s29+$0x11030]  }
0x195: {  	v9 =	vsel vm4, $0x5, v9;
	vm9 =	vgt.f32 v59, v5  }
0x196: {  	v61 =	vld [tilespmem:s29+$0x11830];
	v9 =	vsel vm5, $0x6, v9;
	v5 =	vsel vm9, v59, v5  }
0x197: {  	v9 =	vsel vm6, $0x7, v9;
	vm10 =	vgt.f32 v6, v5  }
0x198: {  	v9 =	vsel vm12, $0x8, v9;
	v5 =	vsel vm10, v6, v5;
	v6 =	vld [tilespmem:s29+$0x12030]  }
0x199: {  	v9 =	vsel vm13, $0x9, v9;
	vm11 =	vgt.f32 v7, v5  }
0x19a: {  	v9 =	vsel vm14, $0xA, v9;
	v5 =	vsel vm11, v7, v5;
	v7 =	vld [tilespmem:s29+$0x12830]  }
0x19b: {  	v9 =	vsel vm15, $0xB, v9;
	vm12 =	vgt.f32 v61, v5  }
0x19c: {  	v62 =	vld [tilespmem:s29+$0x13030];
	v9 =	vsel vm9, $0xC, v9;
	v5 =	vsel vm12, v61, v5  }
0x19d: {  	v63 =	vld [tilespmem:s29+$0x13830];
	v9 =	vsel vm10, $0xD, v9;
	vm13 =	vgt.f32 v6, v5  }
0x19e: {  	v9 =	vsel vm11, $0xE, v9;
	v5 =	vsel vm13, v6, v5  }
0x19f: {  	v6 =	vsel vm12, $0xF, v9;
	vm14 =	vgt.f32 v7, v5  }
0x1a0: {  	v6 =	vsel vm13, $0x10, v6;
	v5 =	vsel vm14, v7, v5  }
0x1a1: {  	v6 =	vsel vm14, $0x11, v6;
	vm15 =	vgt.f32 v62, v5  }
0x1a2: {  	v5 =	vsel vm15, $0x12, v6;
	v6 =	vshll.u32 v63, $0x5  }
0x1a3: {  	v5 =	vadd.s32 v5, v6  }
0x1a4: {  	v5 =	vadd.s32 v0, v5  }
0x1a5: {  	p1 =	sne.s32 s28, $0x1F00;
	v6 =	vadd.s32 v4, v63  }
.Ltmp4:
0x1a6: {  	_ = 	snop;
	(pc) =	sbr.rel @p1 .LBB2_7-.Ltmp4, $3  }
0x1a7: {  	_ =	sdelay $0x1  }
0x1a8: {  	[tilespmem:v5+s21+$0x0] =	vst.idx.add.f32.msk $0xffff, v3  }
0x1a9: {  	s28 =	sadd.s32 $0x100, s28;
	[tilespmem:v6+s21+$0x0] =	vst.idx.add.f32.msk $0xffff, v3  }
.Ltmp5:
0x1aa: {  	(pc) =	sbr.rel @p0 .LBB2_10-.Ltmp5, $1  }
0x1ab: {  	_ =	sdelay $0x3  }
0x1ac: {  	s1 =	sadd.s32 s26, s13  }
0x1ad: {  	s26 =	sadd.s32 s5, s1  }
.Ltmp6:
0x1ae: {  	s1 =	sadd.s32 s7, s1;
	s26 =	sshrl.u32 s26, $0x3;
	(pc) =	sbr.rel .LBB2_4-.Ltmp6, $4  }
0x1af: {  	s1 =	sshrl.u32 s1, $0x3;
	s26 =	sadd.s32 s3, s26  }
0x1b0: {  	[tilespmem:s19], [sflag:$0x2] =	stream.strided.gather [hbm4b:s26+s16], $0x9800, s17, s16, $0x38;
	[tilespmem:$0x18000] =	vst v63  }
0x1b1: {  	s25 =	sadd.s32 $0x1, s25;
	s1 =	sadd.s32 s4, s1  }
0x1b2: {  	[tilespmem:s20], [sflag:$0x2] =	stream.linear.gather [hbm4b:s1+s2], $0x800, $0x38;
	[tilespmem:$0x18000] =	vst v63  }
.LBB2_11:
0x1b3: {  	_ =	sfence.sel $0x180000  }
0x1b4: {  	[bflag:$0x0] =	sbarrier.arrive $0xFFFF  }
0x1b5: {  	_ =	strace $0x9000004A  }
0x1b6: {  	[bflag:$0x2] =	sbarrier.arrive $0xFFFF  }
0x1b7: {  	p0 =	sne.s32 s0, $0x0;
	s0 =	rddreg [dreg:$0x1]  }
0x1b8: {  	s0 =	sadd.s32 @!p0 $0x100000, s0  }
0x1b9: {  	[sflag:s0] =	ssyncadd.tile.s32 @!p0 $0x1;
	_ =	shalt  }
.Lfunc_end2:
_tile_overlayer_lowered:
.L_overlay_start_2:
0x1ba: {  	(tag) =	ssettag $0x2  }
0x1bb: {  	s0 =	rddreg [dreg:$0x0];
	s2 =	stileid.u32  }
0x1bc: {  	s1 =	rddreg [dreg:$0x1];
	p0 =	sne.s32 s2, $0x0  }
0x1bd: {  	s3 =	rddreg [dreg:$0x2];
	[bflag:$0x3] =	sbarrier.arrive $0xFFFF;
	s2 =	simm.s32 @!p0 $0x1C03  }
0x1be: {  	[timem:s3], [sflag:s2] =	dma.local @!p0 [hbm:s0], s1  }
0x1bf: {  	s0 =	simm.s32 @!p0 $0x3  }
0x1c0: {  	_ =	swait.ge @!p0 [sflag:s0], s1  }
0x1c1: {  	s1 =	ssub.s32 @!p0 $0x0, s1;
	[sflag:s0] =	ssyncset.done @!p0 $0x0  }
0x1c2: {  	[sflag:s0] =	ssyncadd.s32 @!p0 s1  }
0x1c3: {  	[bflag:$0x3] =	sbarrier.arrive $0xFFFF  }
0x1c4: {  	_ =	shalt  }

// kernel: sparse-core-data-format-call.cloned.1.call-start
scs
called_computation_lowered:
.L_overlay_start_0:
0x0: {  	s2 =	sld [smem:$0x3FD9]  }
0x1: {  	s3 =	sld [smem:$0x3FFE];
	_ =	sdelay $0x1  }
0x2: {  	s1 =	srdreg.scid  }
0x3: {  	s0 =	sand.u32 $0x1, s1  }
0x4: {  	s18 =	sshll.u32 s0, $0xA;
	s2 =	sadd.s32 s3, s2  }
0x5: {  	s2 =	sadd.s32 s2, s18  }
0x6: {  	[smem:$0x3FC6] =	sst s2  }
0x7: {  	_ = 	snop  }
0x8: {  	s2 =	sld [smem:$0x3FC9];
	(tm) =	ssettm $0x1  }
0x9: {  	s19 =	sld [smem:$0x3FFB];
	_ =	sdelay $0x3  }
0xa: {  	_ =	strace s19  }
0xb: {  	s3 =	sld [smem:$0x3FFC];
	_ =	sdelay $0x3  }
0xc: {  	_ =	strace s3  }
0xd: {  	s3 =	sld [smem:$0x3FFD];
	_ =	sdelay $0x3  }
0xe: {  	_ =	strace s3  }
0xf: {  	_ =	strace $0x8FFFFFFF  }
0x10: {  	s20 =	sld [smem:$0x3FDB];
	_ =	sdelay $0x1  }
0x11: {  	s4 =	simm.s32 $_scs_section_size  }
0x12: {  	s5 =	simm.s32 $_size__tile_overlayer_lowered;
	s6 =	simm.s32 $_tile_overlayer_lowered  }
0x13: {  	s23 =	simm.s32 $0x1BFF;
	s22 =	sshll.u32 s6, $0x1;
	s3 =	sadd.s32 s4, s20  }
0x14: {  	s7 =	simm.s32 $0x0;
	s21 =	sshll.u32 s5, $0x1;
	s5 =	sadd.s32 s22, s3  }
0x15: {  	[timem:s7], [sflag:s23] =	dma.local [hbm:s5], s21  }
0x16: {  	_ =	swait.ge [sflag:s23], s21  }
0x17: {  	s4 =	ssub.s32 $0x0, s21;
	[sflag:s23] =	ssyncset.done $0x0  }
0x18: {  	[sflag:s23] =	ssyncadd.s32 s4;
	_ =	sdelay $0x1  }
0x19: {  	s24 =	simm.s32 $0x1B8B  }
0x1a: {  	_ =	swait.ge [sflag:s24], $0x1  }
0x1b: {  	[sflag:s24] =	ssyncset.done $0x0  }
0x1c: {  	s26 =	simm.s32 $0x1B8E;
	s25 =	sld [smem:$0x3FFE];
	[sflag:s24] =	ssyncadd.s32 $0xFFFFFFFF  }
0x1d: {  	s27 =	simm.s32 $execute0_lowered;
	[smem:$0x3FD2] =	sst s26  }
0x1e: {  	s5 =	sshll.u32 s27, $0x1;
	_ =	strace $0x80000046;
	[dreg:$0x1] =	wrdreg $0xFFFFFFFF  }
0x1f: {  	s28 =	simm.s32 $_size_execute0_lowered;
	s3 =	sadd.s32 s3, s5;
	[dreg:$0x0] =	wrdreg $0x0  }
0x20: {  	s5 =	sshll.u32 s28, $0x1;
	[dreg:$0x2] =	wrdreg s3  }
0x21: {  	[dreg:$0x3] =	wrdreg s5  }
0x22: {  	[dreg:$0x4] =	wrdreg $0xC0  }
0x23: {  	_ =	task [dreg:s7], $0x5FFFF  }
0x24: {  	[dreg:$0x1] =	wrdreg $0xFFFFFFFF  }
0x25: {  	[dreg:$0x0] =	wrdreg $0x60  }
0x26: {  	[dreg:$0x2] =	wrdreg s2  }
0x27: {  	[dreg:$0x3] =	wrdreg s25  }
0x28: {  	[dreg:$0x4] =	wrdreg $0x9  }
0x29: {  	_ =	task.clear_ibuf [dreg:s7], $0x5FFFF;
	_ =	strace $0x90000046  }
0x2a: {  	s29 =	simm.s32 $0x9;
	_ =	strace $0x80000048  }
0x2b: {  	_ =	swait.ge [sflag:s29], $0x1  }
0x2c: {  	[sflag:s29] =	ssyncadd.s32 $0xFFFFFFFF  }
0x2d: {  	_ =	strace $0x90000048  }
0x2e: {  	_ =	sfence  }
0x2f: {  	s30 =	sld [smem:$0x0];
	_ =	sdelay $0x2  }
0x30: {  	s31 =	sshll.u32 s1, $0xD;
	s1 =	sshrl.u32 s1, $0x2  }
0x31: {  	s3 =	sand.u32 $0x4000, s31;
	s1 =	sadd.s32 s1, s30  }
0x32: {  	s0 =	sor.u32 s3, s0;
	s1 =	sshll.u32 s1, $0x11  }
0x33: {  	s0 =	sor.u32 s1, s0  }
0x34: {  	s0 =	sadd.s32 $0x8F2B, s0  }
0x35: {  	[sflag:s0] =	ssyncadd.remote.s32 $0x1  }
0x36: {  	_ =	sfence.sel $0xFFFF  }
0x37: {  	[dreg:$0x0] =	wrdreg $0xFFFFFFFF;
	(pc) =	sbr.abs _section_cstart, $3  }
0x38: {  	[dreg:$0x1] =	wrdreg $0xFFFFFFFF  }
0x39: {  	_ =	task.clear_ibuf [dreg:s7], $0x2FFFF;
	_ =	strace $0x9FFFFFFF  }
0x3a: {  	(tm) =	ssettm $0x7FFFFFFF  }
0x3b: {  	_ =	shalt  }
tec
execute0_lowered:
.L_overlay_start_1:
0x0: {  	(tag) =	ssettag $0x1  }
0x1: {  	s0 =	srdreg.scid  }
0x2: {  	s1 =	sshll.u32 s0, $0x4  }
0x3: {  	s2 =	rddreg [dreg:$0x0];
	s0 =	stileid.u32;
	s1 =	sand.u32 $0x10, s1  }
0x4: {  	s4 =	rddreg [dreg:$0x1];
	s7 =	simm.s32 $0x1;
	s1 =	sor.u32 s0, s1  }
0x5: {  	s8 =	simm.s32 $0x2;
	s9 =	simm.s32 $0x0;
	s3 =	sshll.u32 s1, $0x2  }
0x6: {  	s12 =	simm.s32 $0x0;
	s11 =	simm.s32 $0x0;
	s6 =	ssub.s32 $0x2600, s3  }
.Ltmp0:
0x7: {  	s4 =	sadd.s32 $0xC00, s4;
	s5 =	sand.u32 $0x7C, s6;
	(pc) =	sbr.rel .LBB1_1-.Ltmp0, $4  }
0x8: {  	s1 =	rddreg [dreg:$0x2];
	_ =	strace $0x80000047;
	p0 =	sne.s32 s5, $0x0  }
0x9: {  	s6 =	sshrl.u32 s6, $0x7;
	s5 =	simm.s32 $0x1;
	s7 =	simm.s32 @!p0 $0x0  }
0xa: {  	s10 =	smov.u32 s3;
	[sflag:s5] =	ssyncpa.u1 $0x0;
	s6 =	sadd.s32 s7, s6  }
0xb: {  	[sflag:s8] =	ssyncpa.u1 $0x0;
	s8 =	simm.s32 $0x0;
	s7 =	sadd.s32 $0x1, s6  }
.LBB1_9:
0xc: {  	s14 =	sadd.s32 $0x80, s10  }
0xd: {  	p1 =	sgt.s32 s14, $0x25FF  }
0xe: {  	s14 =	smov.u32 @p1 s3;
	p1 =	sne.s32 s11, s7  }
.Ltmp1:
0xf: {  	p0 =	slt.u32 s11, $0x2;
	(pc) =	sbr.rel @!p1 .LBB1_10-.Ltmp1, $4  }
0x10: {  	s13 =	simm.s32 @!p0 $0x2  }
0x11: {  	s15 =	sadd.s32 $0x1, s11;
	_ =	swait.ge @!p0 [sflag:s13], $0x4000  }
0x12: {  	s12 =	smov.u32 s10;
	s9 =	sadd.s32 $0x4000, s9;
	[sflag:s13] =	ssyncset.done @!p0 $0x0  }
0x13: {  	s11 =	smov.u32 s15;
	s10 =	smov.u32 s14;
	[sflag:s13] =	ssyncadd.s32 @!p0 $0xFFFFC000  }
.LBB1_1:
0x14: {  	p0 =	sge.u32 s11, s6  }
0x15: {  	s13 =	sxor.u32 @!p0 $0xFFFFFFFF, s11  }
0x16: {  	s31 =	sadd.s32 $0xFFFFFFFF, s11;
	s14 =	sshll.u32 @!p0 s10, $0x9;
	s13 =	sshll.u32 @!p0 s13, $0xE  }
0x17: {  	s15 =	simm.s32 @!p0 $0x0;
	s14 =	sadd.s32 @!p0 s2, s14;
	s13 =	sand.u32 @!p0 $0x4000, s13  }
0x18: {  	[tilespmem:s13], [sflag:$0x1] =	stream.linear.gather @!p0 [hbm4b:s14+s15], $0x4000, $0x38;
	[tilespmem:$0x10000] =	vst v63  }
0x19: {  	p0 =	sge.u32 s31, s6  }
.Ltmp2:
0x1a: {  	_ = 	snop;
	(pc) =	sbr.rel @p0 .LBB1_9-.Ltmp2, $1  }
0x1b: {  	_ =	sdelay $0x3  }
0x1c: {  	s14 =	sand.u32 $0x4000, s9  }
0x1d: {  	_ =	swait.ge [sflag:s5], $0x4000;
	s15 =	sshll.u32 s11, $0xE;
	s16 =	simm.s32 $0x0  }
0x1e: {  	s13 =	sor.u32 $0x40, s14;
	[sflag:s5] =	ssyncset.done $0x0;
	s15 =	sand.u32 $0x4000, s15  }
0x1f: {  	s14 =	sor.u32 $0x8040, s14;
	[sflag:s5] =	ssyncadd.s32 $0xFFFFC000;
	s15 =	sor.u32 $0x8000, s15  }
.LBB1_3:
0x20: {  	s17 =	smov.u32 s14;
	s18 =	smov.u32 s13;
	s19 =	simm.s32 $0x0  }
.LBB1_4:
0x21: {  	v0 =	vmov s17;
	v2 =	vld [tilespmem:s18+$0x30]  }
0x22: {  	v4 =	vld [tilespmem:s18+$0xFFFFFFD0]  }
0x23: {  	v6 =	vld [tilespmem:s18+$0xFFFFFFE0]  }
0x24: {  	v7 =	vld [tilespmem:s18+$0xFFFFFFF0]  }
0x25: {  	s20 =	simm.s32 $0x0;
	v1 =	vld [tilespmem:s18+$0x0]  }
0x26: {  	v3 =	vld [tilespmem:s18+$0x10];
	[tilespmem:v0+s20+$0x30 ss:$0x1] =	vst.idx.msk $0xffff, v2  }
0x27: {  	v5 =	vld [tilespmem:s18+$0x20];
	[tilespmem:v0+s20+$0xFFFFFFD0 ss:$0x1] =	vst.idx.msk $0xffff, v4  }
0x28: {  	s21 =	sadd.s32 $0x80, s18;
	v2 =	vld [tilespmem:s18+$0xFFFFFFC0];
	[tilespmem:v0+s20+$0xFFFFFFE0 ss:$0x1] =	vst.idx.msk $0xffff, v6  }
0x29: {  	s22 =	simm.s32 $0x800;
	s23 =	simm.s32 $0x1000;
	v4 =	vld [tilespmem:s21+$0x30];
	[tilespmem:v0+s20+$0xFFFFFFF0 ss:$0x1] =	vst.idx.msk $0xffff, v7  }
.LBB1_5:
0x2a: {  	p0 =	sne.s32 s23, $0x3800;
	v6 =	vld [tilespmem:s21+$0xFFFFFFD0];
	[tilespmem:v0+s20+$0x0 ss:$0x1] =	vst.idx.msk $0xffff, v1  }
0x2b: {  	v7 =	vld [tilespmem:s21+$0xFFFFFFE0];
	[tilespmem:v0+s20+$0x10 ss:$0x1] =	vst.idx.msk $0xffff, v3  }
0x2c: {  	v8 =	vld [tilespmem:s21+$0xFFFFFFF0];
	[tilespmem:v0+s20+$0x20 ss:$0x1] =	vst.idx.msk $0xffff, v5  }
.Ltmp3:
0x2d: {  	v1 =	vld [tilespmem:s21+$0x0];
	[tilespmem:v0+s20+$0xFFFFFFC0 ss:$0x1] =	vst.idx.msk $0xffff, v2;
	s20 =	sshra.s32 s22, $0x2;
	s22 =	smov.u32 s23;
	(pc) =	sbr.rel @p0 .LBB1_5-.Ltmp3, $4  }
0x2e: {  	v3 =	vld [tilespmem:s21+$0x10];
	[tilespmem:v0+s20+$0x30 ss:$0x1] =	vst.idx.msk $0xffff, v4  }
0x2f: {  	[tilespmem:v0+s20+$0xFFFFFFD0 ss:$0x1] =	vst.idx.msk $0xffff, v6;
	v5 =	vld [tilespmem:s21+$0x20]  }
0x30: {  	v2 =	vld [tilespmem:s21+$0xFFFFFFC0];
	[tilespmem:v0+s20+$0xFFFFFFE0 ss:$0x1] =	vst.idx.msk $0xffff, v7;
	s21 =	sadd.s32 $0x80, s21  }
0x31: {  	s23 =	sadd.s32 $0x800, s23;
	v4 =	vld [tilespmem:s21+$0x30];
	[tilespmem:v0+s20+$0xFFFFFFF0 ss:$0x1] =	vst.idx.msk $0xffff, v8  }
0x32: {  	_ =	sdelay $0x3  }
0x33: {  	v6 =	vld [tilespmem:s21+$0xFFFFFFD0];
	[tilespmem:v0+s20+$0x0 ss:$0x1] =	vst.idx.msk $0xffff, v1  }
0x34: {  	v58 =	vld [tilespmem:s21+$0xFFFFFFE0];
	[tilespmem:v0+s20+$0x10 ss:$0x1] =	vst.idx.msk $0xffff, v3  }
0x35: {  	v59 =	vld [tilespmem:s21+$0xFFFFFFF0];
	[tilespmem:v0+s20+$0x20 ss:$0x1] =	vst.idx.msk $0xffff, v5  }
0x36: {  	s22 =	sshra.s32 s22, $0x2;
	v60 =	vld [tilespmem:s21+$0x0];
	[tilespmem:v0+s20+$0xFFFFFFC0 ss:$0x1] =	vst.idx.msk $0xffff, v2  }
0x37: {  	v61 =	vld [tilespmem:s21+$0x10];
	[tilespmem:v0+s22+$0x30 ss:$0x1] =	vst.idx.msk $0xffff, v4  }
0x38: {  	v62 =	vld [tilespmem:s21+$0x20];
	s19 =	sadd.s32 $0x1, s19;
	[tilespmem:v0+s22+$0xFFFFFFD0 ss:$0x1] =	vst.idx.msk $0xffff, v6  }
0x39: {  	v63 =	vld [tilespmem:s21+$0xFFFFFFC0];
	p0 =	sne.s32 s19, $0x4;
	[tilespmem:v0+s22+$0xFFFFFFE0 ss:$0x1] =	vst.idx.msk $0xffff, v58  }
.Ltmp4:
0x3a: {  	[tilespmem:v0+s22+$0xFFFFFFF0 ss:$0x1] =	vst.idx.msk $0xffff, v59;
	(pc) =	sbr.rel @p0 .LBB1_4-.Ltmp4, $4  }
0x3b: {  	[tilespmem:v0+s22+$0x0 ss:$0x1] =	vst.idx.msk $0xffff, v60  }
0x3c: {  	[tilespmem:v0+s22+$0x10 ss:$0x1] =	vst.idx.msk $0xffff, v61  }
0x3d: {  	[tilespmem:v0+s22+$0x20 ss:$0x1] =	vst.idx.msk $0xffff, v62  }
0x3e: {  	s18 =	sadd.s32 $0x400, s18;
	s17 =	sadd.s32 $0x80, s17;
	[tilespmem:v0+s22+$0xFFFFFFC0 ss:$0x1] =	vst.idx.msk $0xffff, v63  }
0x3f: {  	s16 =	sadd.s32 $0x1, s16  }
0x40: {  	p0 =	sne.s32 s16, $0x4  }
.Ltmp5:
0x41: {  	_ = 	snop;
	(pc) =	sbr.rel @p0 .LBB1_3-.Ltmp5, $2  }
0x42: {  	_ =	sdelay $0x2  }
0x43: {  	s13 =	sadd.s32 $0x1000, s13;
	s14 =	sadd.s32 $0x1000, s14  }
.Ltmp6:
0x44: {  	(pc) =	sbr.rel .LBB1_9-.Ltmp6, $4  }
0x45: {  	_ = 	snop  }
0x46: {  	s12 =	sshll.u32 s12, $0x9  }
0x47: {  	s12 =	sadd.s32 s4, s12  }
0x48: {  	[hbm4b:s12+s8] =	stream.linear.scatter [tilespmem:s15], [sflag:$0x2], $0x4000, $0x38;
	[tilespmem:$0x10000] =	vst v63  }
.LBB1_10:
0x49: {  	_ =	sfence.sel $0x180000  }
0x4a: {  	s2 =	simm.s32 $0x1;
	[bflag:$0x0] =	sbarrier.arrive $0xFFFF  }
0x4b: {  	s31 =	simm.s32 $0x2;
	[sflag:s2] =	ssyncpa.u1 $0x1  }
0x4c: {  	[sflag:s31] =	ssyncpa.u1 $0x1  }
0x4d: {  	p0 =	sne.s32 s0, $0x0;
	_ =	strace $0x90000047  }
0x4e: {  	s0 =	sadd.s32 @!p0 $0x100000, s1;
	[bflag:$0x2] =	sbarrier.arrive $0xFFFF  }
0x4f: {  	[sflag:s0] =	ssyncadd.tile.s32 @!p0 $0x1;
	_ =	shalt  }
.Lfunc_end1:
_tile_overlayer_lowered:
.L_overlay_start_2:
0x50: {  	(tag) =	ssettag $0x2  }
0x51: {  	s0 =	rddreg [dreg:$0x0];
	s2 =	stileid.u32  }
0x52: {  	s1 =	rddreg [dreg:$0x1];
	p0 =	sne.s32 s2, $0x0  }
0x53: {  	s3 =	rddreg [dreg:$0x2];
	[bflag:$0x3] =	sbarrier.arrive $0xFFFF;
	s2 =	simm.s32 @!p0 $0x1C01  }
0x54: {  	[timem:s3], [sflag:s2] =	dma.local @!p0 [hbm:s0], s1  }
0x55: {  	s0 =	simm.s32 @!p0 $0x1  }
0x56: {  	_ =	swait.ge @!p0 [sflag:s0], s1  }
0x57: {  	s1 =	ssub.s32 @!p0 $0x0, s1;
	[sflag:s0] =	ssyncset.done @!p0 $0x0  }
0x58: {  	[sflag:s0] =	ssyncadd.s32 @!p0 s1  }
0x59: {  	[bflag:$0x3] =	sbarrier.arrive $0xFFFF  }
0x5a: {  	_ =	shalt  }

</sc_bundles>
